<compile_context>
chip_gen: v7x
topology: tpu7x:2x2x1
jax: 0.10.2.dev20260603
libtpu: 0.0.44.dev20260713+nightly
codegen_flags: <defaults>
</compile_context>

<pallas_src>
import functools

import numpy as np
import jax
import jax.numpy as jnp
from jax import lax
from jax.experimental import pallas as pl
from jax.experimental.pallas import tpu as pltpu
from jax.experimental.pallas import tpu_sc as plsc

NC = 2
NS = 16
NW = NC * NS
LANES = 16
UNROLL = 8
CS = 8
NRB = 8


def _pos_encoding(seq_len, d_model):
    pos = np.arange(seq_len)[:, None].astype(np.float32)
    i = np.arange(0, d_model, 2).astype(np.float32)
    angle = pos / np.power(10000.0, i / d_model)
    pe = np.zeros((seq_len, d_model), dtype=np.float32)
    pe[:, 0::2] = np.sin(angle)
    pe[:, 1::2] = np.cos(angle)
    return pe


@functools.cache
def _build(batch, seq, vocab, d):
    spw = seq // NW
    nchunk = spw // CS
    nvec = d // LANES
    assert spw * NW == seq and nchunk * CS == spw
    assert nvec % UNROLL == 0 and 2 * batch == NRB and nchunk % 2 == 0
    ngp = nchunk // 2
    ntask = nchunk * batch

    mesh = plsc.VectorSubcoreMesh(
        core_axis_name="c", subcore_axis_name="s",
        num_cores=NC, num_subcores=NS)

    @functools.partial(
        pl.kernel,
        mesh=mesh,
        out_type=jax.ShapeDtypeStruct((batch * seq, d), jnp.float32),
        scratch_types=[
            pltpu.VMEM((batch * spw,), jnp.int32),
            [pltpu.VMEM((CS, d), jnp.float32) for _ in range(2)],
            [pltpu.VMEM((CS, d), jnp.float32) for _ in range(NRB)],
            pltpu.SemaphoreType.DMA,
            pltpu.SemaphoreType.DMA,
            pltpu.SemaphoreType.DMA,
        ],
    )
    def emb(x_hbm, tab_hbm, pe_hbm, out_hbm, idx_v, pes, rows,
            sem_pe, sem_g, sem_out):
        wid = lax.axis_index("s") * NC + lax.axis_index("c")
        sw = wid * spw

        idx_cps = [
            pltpu.async_copy(x_hbm.at[b, pl.ds(sw, spw)],
                             idx_v.at[pl.ds(b * spw, spw)], sem_out)
            for b in range(batch)
        ]
        for cp in idx_cps:
            cp.wait()

        def gather(g, b, rb):
            pltpu.async_copy(
                tab_hbm.at[idx_v.at[pl.ds(b * spw + g * CS, CS)]],
                rb, sem_g)

        def wait_gather(rb):
            pltpu.make_async_copy(
                tab_hbm.at[idx_v.at[pl.ds(0, CS)]], rb, sem_g).wait()

        def wait_out(rb):
            pltpu.make_async_copy(rb, out_hbm.at[pl.ds(0, CS)],
                                  sem_out).wait()

        def add_chunk(rb, pb):
            @plsc.parallel_loop(0, CS * nvec, step=1, unroll=UNROLL)
            def _(i):
                r = i // nvec
                o = (i % nvec) * LANES
                plsc.addupdate(rb.at[r, pl.ds(o, LANES)],
                               pb[r, pl.ds(o, LANES)])

        pltpu.async_copy(pe_hbm.at[pl.ds(sw, CS)], pes[0], sem_pe)
        for b in range(batch):
            gather(0, b, rows[b])

        def body(gp, carry):
            for gg in range(2):
                g = gp * 2 + gg
                pb = pes[gg]
                for b in range(batch):
                    rb = rows[batch * gg + b]
                    nrb = rows[batch * (1 - gg) + b]
                    if gg == 0:
                        @pl.when(gp > 0)
                        def _():
                            wait_out(nrb)
                        gather(g + 1, b, nrb)
                    else:
                        wait_out(nrb)
                        @pl.when(gp < ngp - 1)
                        def _():
                            gather(g + 1, b, nrb)
                    if b == 0:
                        pltpu.make_async_copy(
                            pe_hbm.at[pl.ds(0, CS)], pb, sem_pe).wait()
                        if gg == 0:
                            pltpu.async_copy(
                                pe_hbm.at[pl.ds(sw + (g + 1) * CS, CS)],
                                pes[1 - gg], sem_pe)
                        else:
                            @pl.when(gp < ngp - 1)
                            def _():
                                pltpu.async_copy(
                                    pe_hbm.at[pl.ds(sw + (g + 1) * CS, CS)],
                                    pes[1 - gg], sem_pe)
                    wait_gather(rb)
                    add_chunk(rb, pb)
                    pltpu.async_copy(
                        rb, out_hbm.at[pl.ds(b * seq + sw + g * CS, CS)],
                        sem_out)
            return carry

        lax.fori_loop(0, ngp, body, 0)

        for k in range(batch):
            wait_out(rows[(ntask - batch + k) % NRB])

    return emb


def kernel(x, token_table):
    batch, seq = x.shape
    vocab, d = token_table.shape
    pe = jnp.asarray(_pos_encoding(seq, d))
    xi = x.astype(jnp.int32)
    out = _build(batch, seq, vocab, d)(xi, token_table, pe)
    return out.reshape(batch, seq, d)

# --- scband reference (transcript-rebuilt; emitter-appended) ---
"""Pipeline reference for scband-transformer-embedding-72138270703804 (READ-ONLY COPY).

The authoritative reference and input builder live on the scoring server;
editing this copy changes nothing except your own understanding.
"""

import jax, jax.numpy as jnp
import numpy as np

VOCAB = 100000
D_MODEL = 1024
BATCH = 4
SEQ_LEN = 4096


def _pos_encoding(seq_len, d_model):
    pos = np.arange(seq_len)[:, None].astype(np.float32)
    i = np.arange(0, d_model, 2).astype(np.float32)
    angle = pos / np.power(10000.0, i / d_model)
    pe = np.zeros((seq_len, d_model), dtype=np.float32)
    pe[:, 0::2] = np.sin(angle)
    pe[:, 1::2] = np.cos(angle)
    return jnp.asarray(pe)


def setup_inputs(seed: int = 0) -> dict:
    key = jax.random.key(seed)
    k1, k2 = jax.random.split(key)
    x = jax.random.randint(k1, (BATCH, SEQ_LEN), 0, VOCAB, dtype=jnp.int64 if jax.config.jax_enable_x64 else jnp.int32)
    token_table = jax.random.normal(k2, (VOCAB, D_MODEL), dtype=jnp.float32) * 0.02
    return {"x": x, "token_table": token_table}


def reference(x, token_table):
    # TokenEmbedding: gather rows from the embedding table (memory-bound lookup)
    emb = jnp.take(token_table, x, axis=0)  # [B, S, D]
    # PositionalEncoding: add fixed sinusoidal encodings
    pe = _pos_encoding(emb.shape[1], emb.shape[2])  # [S, D]
    out = emb + pe[None, :, :]
    # Dropout with p=0 is identity
    return out

if __name__ == "__main__":
    import jax
    _d = setup_inputs()
    print(jax.jit(kernel)(*tuple(_d.values())))

</pallas_src>

<mosaic_0001>
#map = affine_map<(d0, d1) -> (0, 0)>
module attributes {stable_mosaic.version = 14 : i64} {
  func.func @emb(%arg0: i32, %arg1: i32, %arg2: memref<4x4096xi32, #tpu.memory_space<hbm>>, %arg3: memref<100000x1024xf32, #tpu.memory_space<hbm>>, %arg4: memref<4096x1024xf32, #tpu.memory_space<hbm>>, %arg5: memref<16384x1024xf32, #tpu.memory_space<hbm>>, %arg6: memref<512xi32, #tpu.memory_space<vmem>>, %arg7: memref<8x1024xf32, #tpu.memory_space<vmem>>, %arg8: memref<8x1024xf32, #tpu.memory_space<vmem>>, %arg9: memref<8x1024xf32, #tpu.memory_space<vmem>>, %arg10: memref<8x1024xf32, #tpu.memory_space<vmem>>, %arg11: memref<8x1024xf32, #tpu.memory_space<vmem>>, %arg12: memref<8x1024xf32, #tpu.memory_space<vmem>>, %arg13: memref<8x1024xf32, #tpu.memory_space<vmem>>, %arg14: memref<8x1024xf32, #tpu.memory_space<vmem>>, %arg15: memref<8x1024xf32, #tpu.memory_space<vmem>>, %arg16: memref<8x1024xf32, #tpu.memory_space<vmem>>, %arg17: memref<!tpu.dma_semaphore, #tpu.memory_space<semaphore_mem>>, %arg18: memref<!tpu.dma_semaphore, #tpu.memory_space<semaphore_mem>>, %arg19: memref<!tpu.dma_semaphore, #tpu.memory_space<semaphore_mem>>) attributes {dimension_semantics = [#tpu.dimension_semantics<core_parallel>, #tpu.dimension_semantics<subcore_parallel>], iteration_bounds = array<i64: 2, 16>, scalar_prefetch = 0 : i64, scratch_operands = 14 : i64, tpu.core_type = #tpu.core_type<sc_vector_subcore>, window_params = [{transform_indices = #map}, {transform_indices = #map}, {transform_indices = #map}, {transform_indices = #map}]} {
    %mul3A = arith.constant 2 : i32
    %mul3A_0 = arith.muli %arg1, %mul3A : i32
    %add3A = arith.addi %mul3A_0, %arg0 : i32
    %mul3A_1 = arith.constant 128 : i32
    %mul3A_2 = arith.muli %add3A, %mul3A_1 : i32
    %dma_start3A = arith.constant 0 : i32
    %dma_start3A_3 = arith.constant 0 : i32
    %dma_start3A_4 = tpu.memref_slice %arg6[%dma_start3A_3] : memref<512xi32, #tpu.memory_space<vmem>> -> memref<128xi32, #tpu.memory_space<vmem>>
    %dma_start3A_5 = tpu.memref_slice %arg2[%dma_start3A, %mul3A_2] : memref<4x4096xi32, #tpu.memory_space<hbm>> -> memref<1x128xi32, #tpu.memory_space<hbm>>
    %dma_start3A_6 = tpu.memref_squeeze %dma_start3A_5 : memref<1x128xi32, #tpu.memory_space<hbm>> -> memref<128xi32, #tpu.memory_space<hbm>>
    %dma_start3A_7 = arith.constant 0 : i32
    %dma_start3A_8 = tpu.memref_slice %arg6[%dma_start3A_7] : memref<512xi32, #tpu.memory_space<vmem>> -> memref<128xi32, #tpu.memory_space<vmem>>
    %dma_start3A_9 = tpu.memref_slice %arg2[%dma_start3A, %mul3A_2] : memref<4x4096xi32, #tpu.memory_space<hbm>> -> memref<1x128xi32, #tpu.memory_space<hbm>>
    %dma_start3A_10 = tpu.memref_squeeze %dma_start3A_9 : memref<1x128xi32, #tpu.memory_space<hbm>> -> memref<128xi32, #tpu.memory_space<hbm>>
    tpu.enqueue_dma source(%dma_start3A_10 : memref<128xi32, #tpu.memory_space<hbm>>) target(%dma_start3A_8 : memref<128xi32, #tpu.memory_space<vmem>>) target_semaphore(%arg19 : memref<!tpu.dma_semaphore, #tpu.memory_space<semaphore_mem>>)
    %dma_start3A_11 = arith.constant 1 : i32
    %dma_start3A_12 = arith.constant 128 : i32
    %dma_start3A_13 = tpu.memref_slice %arg6[%dma_start3A_12] : memref<512xi32, #tpu.memory_space<vmem>> -> memref<128xi32, #tpu.memory_space<vmem>>
    %dma_start3A_14 = tpu.memref_slice %arg2[%dma_start3A_11, %mul3A_2] : memref<4x4096xi32, #tpu.memory_space<hbm>> -> memref<1x128xi32, #tpu.memory_space<hbm>>
    %dma_start3A_15 = tpu.memref_squeeze %dma_start3A_14 : memref<1x128xi32, #tpu.memory_space<hbm>> -> memref<128xi32, #tpu.memory_space<hbm>>
    %dma_start3A_16 = arith.constant 128 : i32
    %dma_start3A_17 = tpu.memref_slice %arg6[%dma_start3A_16] : memref<512xi32, #tpu.memory_space<vmem>> -> memref<128xi32, #tpu.memory_space<vmem>>
    %dma_start3A_18 = tpu.memref_slice %arg2[%dma_start3A_11, %mul3A_2] : memref<4x4096xi32, #tpu.memory_space<hbm>> -> memref<1x128xi32, #tpu.memory_space<hbm>>
    %dma_start3A_19 = tpu.memref_squeeze %dma_start3A_18 : memref<1x128xi32, #tpu.memory_space<hbm>> -> memref<128xi32, #tpu.memory_space<hbm>>
    tpu.enqueue_dma source(%dma_start3A_19 : memref<128xi32, #tpu.memory_space<hbm>>) target(%dma_start3A_17 : memref<128xi32, #tpu.memory_space<vmem>>) target_semaphore(%arg19 : memref<!tpu.dma_semaphore, #tpu.memory_space<semaphore_mem>>)
    %dma_start3A_20 = arith.constant 2 : i32
    %dma_start3A_21 = arith.constant 256 : i32
    %dma_start3A_22 = tpu.memref_slice %arg6[%dma_start3A_21] : memref<512xi32, #tpu.memory_space<vmem>> -> memref<128xi32, #tpu.memory_space<vmem>>
    %dma_start3A_23 = tpu.memref_slice %arg2[%dma_start3A_20, %mul3A_2] : memref<4x4096xi32, #tpu.memory_space<hbm>> -> memref<1x128xi32, #tpu.memory_space<hbm>>
    %dma_start3A_24 = tpu.memref_squeeze %dma_start3A_23 : memref<1x128xi32, #tpu.memory_space<hbm>> -> memref<128xi32, #tpu.memory_space<hbm>>
    %dma_start3A_25 = arith.constant 256 : i32
    %dma_start3A_26 = tpu.memref_slice %arg6[%dma_start3A_25] : memref<512xi32, #tpu.memory_space<vmem>> -> memref<128xi32, #tpu.memory_space<vmem>>
    %dma_start3A_27 = tpu.memref_slice %arg2[%dma_start3A_20, %mul3A_2] : memref<4x4096xi32, #tpu.memory_space<hbm>> -> memref<1x128xi32, #tpu.memory_space<hbm>>
    %dma_start3A_28 = tpu.memref_squeeze %dma_start3A_27 : memref<1x128xi32, #tpu.memory_space<hbm>> -> memref<128xi32, #tpu.memory_space<hbm>>
    tpu.enqueue_dma source(%dma_start3A_28 : memref<128xi32, #tpu.memory_space<hbm>>) target(%dma_start3A_26 : memref<128xi32, #tpu.memory_space<vmem>>) target_semaphore(%arg19 : memref<!tpu.dma_semaphore, #tpu.memory_space<semaphore_mem>>)
    %dma_start3A_29 = arith.constant 3 : i32
    %dma_start3A_30 = arith.constant 384 : i32
    %dma_start3A_31 = tpu.memref_slice %arg6[%dma_start3A_30] : memref<512xi32, #tpu.memory_space<vmem>> -> memref<128xi32, #tpu.memory_space<vmem>>
    %dma_start3A_32 = tpu.memref_slice %arg2[%dma_start3A_29, %mul3A_2] : memref<4x4096xi32, #tpu.memory_space<hbm>> -> memref<1x128xi32, #tpu.memory_space<hbm>>
    %dma_start3A_33 = tpu.memref_squeeze %dma_start3A_32 : memref<1x128xi32, #tpu.memory_space<hbm>> -> memref<128xi32, #tpu.memory_space<hbm>>
    %dma_start3A_34 = arith.constant 384 : i32
    %dma_start3A_35 = tpu.memref_slice %arg6[%dma_start3A_34] : memref<512xi32, #tpu.memory_space<vmem>> -> memref<128xi32, #tpu.memory_space<vmem>>
    %dma_start3A_36 = tpu.memref_slice %arg2[%dma_start3A_29, %mul3A_2] : memref<4x4096xi32, #tpu.memory_space<hbm>> -> memref<1x128xi32, #tpu.memory_space<hbm>>
    %dma_start3A_37 = tpu.memref_squeeze %dma_start3A_36 : memref<1x128xi32, #tpu.memory_space<hbm>> -> memref<128xi32, #tpu.memory_space<hbm>>
    tpu.enqueue_dma source(%dma_start3A_37 : memref<128xi32, #tpu.memory_space<hbm>>) target(%dma_start3A_35 : memref<128xi32, #tpu.memory_space<vmem>>) target_semaphore(%arg19 : memref<!tpu.dma_semaphore, #tpu.memory_space<semaphore_mem>>)
    %dma_wait3A = arith.constant 0 : i32
    %dma_wait3A_38 = arith.constant 0 : i32
    %dma_wait3A_39 = tpu.memref_slice %arg6[%dma_wait3A_38] : memref<512xi32, #tpu.memory_space<vmem>> -> memref<128xi32, #tpu.memory_space<vmem>>
    %dma_wait3A_40 = tpu.memref_slice %arg2[%dma_wait3A, %mul3A_2] : memref<4x4096xi32, #tpu.memory_space<hbm>> -> memref<1x128xi32, #tpu.memory_space<hbm>>
    %dma_wait3A_41 = tpu.memref_squeeze %dma_wait3A_40 : memref<1x128xi32, #tpu.memory_space<hbm>> -> memref<128xi32, #tpu.memory_space<hbm>>
    %dma_wait3A_42 = arith.constant 0 : i32
    %dma_wait3A_43 = tpu.memref_slice %arg6[%dma_wait3A_42] : memref<512xi32, #tpu.memory_space<vmem>> -> memref<128xi32, #tpu.memory_space<vmem>>
    %dma_wait3A_44 = tpu.memref_slice %arg2[%dma_wait3A, %mul3A_2] : memref<4x4096xi32, #tpu.memory_space<hbm>> -> memref<1x128xi32, #tpu.memory_space<hbm>>
    %dma_wait3A_45 = tpu.memref_squeeze %dma_wait3A_44 : memref<1x128xi32, #tpu.memory_space<hbm>> -> memref<128xi32, #tpu.memory_space<hbm>>
    tpu.wait_dma2 semaphore(%arg19 : memref<!tpu.dma_semaphore, #tpu.memory_space<semaphore_mem>>) src(%dma_wait3A_45 : memref<128xi32, #tpu.memory_space<hbm>>) dst(%dma_wait3A_43 : memref<128xi32, #tpu.memory_space<vmem>>)
    %dma_wait3A_46 = arith.constant 1 : i32
    %dma_wait3A_47 = arith.constant 128 : i32
    %dma_wait3A_48 = tpu.memref_slice %arg6[%dma_wait3A_47] : memref<512xi32, #tpu.memory_space<vmem>> -> memref<128xi32, #tpu.memory_space<vmem>>
    %dma_wait3A_49 = tpu.memref_slice %arg2[%dma_wait3A_46, %mul3A_2] : memref<4x4096xi32, #tpu.memory_space<hbm>> -> memref<1x128xi32, #tpu.memory_space<hbm>>
    %dma_wait3A_50 = tpu.memref_squeeze %dma_wait3A_49 : memref<1x128xi32, #tpu.memory_space<hbm>> -> memref<128xi32, #tpu.memory_space<hbm>>
    %dma_wait3A_51 = arith.constant 128 : i32
    %dma_wait3A_52 = tpu.memref_slice %arg6[%dma_wait3A_51] : memref<512xi32, #tpu.memory_space<vmem>> -> memref<128xi32, #tpu.memory_space<vmem>>
    %dma_wait3A_53 = tpu.memref_slice %arg2[%dma_wait3A_46, %mul3A_2] : memref<4x4096xi32, #tpu.memory_space<hbm>> -> memref<1x128xi32, #tpu.memory_space<hbm>>
    %dma_wait3A_54 = tpu.memref_squeeze %dma_wait3A_53 : memref<1x128xi32, #tpu.memory_space<hbm>> -> memref<128xi32, #tpu.memory_space<hbm>>
    tpu.wait_dma2 semaphore(%arg19 : memref<!tpu.dma_semaphore, #tpu.memory_space<semaphore_mem>>) src(%dma_wait3A_54 : memref<128xi32, #tpu.memory_space<hbm>>) dst(%dma_wait3A_52 : memref<128xi32, #tpu.memory_space<vmem>>)
    %dma_wait3A_55 = arith.constant 2 : i32
    %dma_wait3A_56 = arith.constant 256 : i32
    %dma_wait3A_57 = tpu.memref_slice %arg6[%dma_wait3A_56] : memref<512xi32, #tpu.memory_space<vmem>> -> memref<128xi32, #tpu.memory_space<vmem>>
    %dma_wait3A_58 = tpu.memref_slice %arg2[%dma_wait3A_55, %mul3A_2] : memref<4x4096xi32, #tpu.memory_space<hbm>> -> memref<1x128xi32, #tpu.memory_space<hbm>>
    %dma_wait3A_59 = tpu.memref_squeeze %dma_wait3A_58 : memref<1x128xi32, #tpu.memory_space<hbm>> -> memref<128xi32, #tpu.memory_space<hbm>>
    %dma_wait3A_60 = arith.constant 256 : i32
    %dma_wait3A_61 = tpu.memref_slice %arg6[%dma_wait3A_60] : memref<512xi32, #tpu.memory_space<vmem>> -> memref<128xi32, #tpu.memory_space<vmem>>
    %dma_wait3A_62 = tpu.memref_slice %arg2[%dma_wait3A_55, %mul3A_2] : memref<4x4096xi32, #tpu.memory_space<hbm>> -> memref<1x128xi32, #tpu.memory_space<hbm>>
    %dma_wait3A_63 = tpu.memref_squeeze %dma_wait3A_62 : memref<1x128xi32, #tpu.memory_space<hbm>> -> memref<128xi32, #tpu.memory_space<hbm>>
    tpu.wait_dma2 semaphore(%arg19 : memref<!tpu.dma_semaphore, #tpu.memory_space<semaphore_mem>>) src(%dma_wait3A_63 : memref<128xi32, #tpu.memory_space<hbm>>) dst(%dma_wait3A_61 : memref<128xi32, #tpu.memory_space<vmem>>)
    %dma_wait3A_64 = arith.constant 3 : i32
    %dma_wait3A_65 = arith.constant 384 : i32
    %dma_wait3A_66 = tpu.memref_slice %arg6[%dma_wait3A_65] : memref<512xi32, #tpu.memory_space<vmem>> -> memref<128xi32, #tpu.memory_space<vmem>>
    %dma_wait3A_67 = tpu.memref_slice %arg2[%dma_wait3A_64, %mul3A_2] : memref<4x4096xi32, #tpu.memory_space<hbm>> -> memref<1x128xi32, #tpu.memory_space<hbm>>
    %dma_wait3A_68 = tpu.memref_squeeze %dma_wait3A_67 : memref<1x128xi32, #tpu.memory_space<hbm>> -> memref<128xi32, #tpu.memory_space<hbm>>
    %dma_wait3A_69 = arith.constant 384 : i32
    %dma_wait3A_70 = tpu.memref_slice %arg6[%dma_wait3A_69] : memref<512xi32, #tpu.memory_space<vmem>> -> memref<128xi32, #tpu.memory_space<vmem>>
    %dma_wait3A_71 = tpu.memref_slice %arg2[%dma_wait3A_64, %mul3A_2] : memref<4x4096xi32, #tpu.memory_space<hbm>> -> memref<1x128xi32, #tpu.memory_space<hbm>>
    %dma_wait3A_72 = tpu.memref_squeeze %dma_wait3A_71 : memref<1x128xi32, #tpu.memory_space<hbm>> -> memref<128xi32, #tpu.memory_space<hbm>>
    tpu.wait_dma2 semaphore(%arg19 : memref<!tpu.dma_semaphore, #tpu.memory_space<semaphore_mem>>) src(%dma_wait3A_72 : memref<128xi32, #tpu.memory_space<hbm>>) dst(%dma_wait3A_70 : memref<128xi32, #tpu.memory_space<vmem>>)
    %dma_start3A_73 = arith.constant 0 : i32
    %dma_start3A_74 = tpu.memref_slice %arg4[%mul3A_2, %dma_start3A_73] : memref<4096x1024xf32, #tpu.memory_space<hbm>> -> memref<8x1024xf32, #tpu.memory_space<hbm>>
    %dma_start3A_75 = arith.constant 0 : i32
    %dma_start3A_76 = tpu.memref_slice %arg4[%mul3A_2, %dma_start3A_75] : memref<4096x1024xf32, #tpu.memory_space<hbm>> -> memref<8x1024xf32, #tpu.memory_space<hbm>>
    tpu.enqueue_dma source(%dma_start3A_76 : memref<8x1024xf32, #tpu.memory_space<hbm>>) target(%arg7 : memref<8x1024xf32, #tpu.memory_space<vmem>>) target_semaphore(%arg17 : memref<!tpu.dma_semaphore, #tpu.memory_space<semaphore_mem>>)
    %dma_start3A_77 = arith.constant 0 : i32
    %dma_start3A_78 = tpu.memref_slice %arg6[%dma_start3A_77] : memref<512xi32, #tpu.memory_space<vmem>> -> memref<8xi32, #tpu.memory_space<vmem>>
    %dma_start3A_79 = arith.constant 0 : i32
    %dma_start3A_80 = arith.constant 0 : i32
    %dma_start3A_81 = tpu.memref_slice %arg3[%dma_start3A_79, %dma_start3A_80] : memref<100000x1024xf32, #tpu.memory_space<hbm>> -> memref<100000x1024xf32, #tpu.memory_space<hbm>>
    tpu.enqueue_indirect_dma source(%dma_start3A_81 : memref<100000x1024xf32, #tpu.memory_space<hbm>>) target(%arg9 : memref<8x1024xf32, #tpu.memory_space<vmem>>) offsets(%dma_start3A_78 : memref<8xi32, #tpu.memory_space<vmem>>) semaphore(%arg18 : memref<!tpu.dma_semaphore, #tpu.memory_space<semaphore_mem>>)
    %dma_start3A_82 = arith.constant 128 : i32
    %dma_start3A_83 = tpu.memref_slice %arg6[%dma_start3A_82] : memref<512xi32, #tpu.memory_space<vmem>> -> memref<8xi32, #tpu.memory_space<vmem>>
    %dma_start3A_84 = arith.constant 0 : i32
    %dma_start3A_85 = arith.constant 0 : i32
    %dma_start3A_86 = tpu.memref_slice %arg3[%dma_start3A_84, %dma_start3A_85] : memref<100000x1024xf32, #tpu.memory_space<hbm>> -> memref<100000x1024xf32, #tpu.memory_space<hbm>>
    tpu.enqueue_indirect_dma source(%dma_start3A_86 : memref<100000x1024xf32, #tpu.memory_space<hbm>>) target(%arg10 : memref<8x1024xf32, #tpu.memory_space<vmem>>) offsets(%dma_start3A_83 : memref<8xi32, #tpu.memory_space<vmem>>) semaphore(%arg18 : memref<!tpu.dma_semaphore, #tpu.memory_space<semaphore_mem>>)
    %dma_start3A_87 = arith.constant 256 : i32
    %dma_start3A_88 = tpu.memref_slice %arg6[%dma_start3A_87] : memref<512xi32, #tpu.memory_space<vmem>> -> memref<8xi32, #tpu.memory_space<vmem>>
    %dma_start3A_89 = arith.constant 0 : i32
    %dma_start3A_90 = arith.constant 0 : i32
    %dma_start3A_91 = tpu.memref_slice %arg3[%dma_start3A_89, %dma_start3A_90] : memref<100000x1024xf32, #tpu.memory_space<hbm>> -> memref<100000x1024xf32, #tpu.memory_space<hbm>>
    tpu.enqueue_indirect_dma source(%dma_start3A_91 : memref<100000x1024xf32, #tpu.memory_space<hbm>>) target(%arg11 : memref<8x1024xf32, #tpu.memory_space<vmem>>) offsets(%dma_start3A_88 : memref<8xi32, #tpu.memory_space<vmem>>) semaphore(%arg18 : memref<!tpu.dma_semaphore, #tpu.memory_space<semaphore_mem>>)
    %dma_start3A_92 = arith.constant 384 : i32
    %dma_start3A_93 = tpu.memref_slice %arg6[%dma_start3A_92] : memref<512xi32, #tpu.memory_space<vmem>> -> memref<8xi32, #tpu.memory_space<vmem>>
    %dma_start3A_94 = arith.constant 0 : i32
    %dma_start3A_95 = arith.constant 0 : i32
    %dma_start3A_96 = tpu.memref_slice %arg3[%dma_start3A_94, %dma_start3A_95] : memref<100000x1024xf32, #tpu.memory_space<hbm>> -> memref<100000x1024xf32, #tpu.memory_space<hbm>>
    tpu.enqueue_indirect_dma source(%dma_start3A_96 : memref<100000x1024xf32, #tpu.memory_space<hbm>>) target(%arg12 : memref<8x1024xf32, #tpu.memory_space<vmem>>) offsets(%dma_start3A_93 : memref<8xi32, #tpu.memory_space<vmem>>) semaphore(%arg18 : memref<!tpu.dma_semaphore, #tpu.memory_space<semaphore_mem>>)
    %scan3A = arith.constant 0 : i32
    %scan3A_97 = arith.constant 0 : i32
    %scan3A_98 = arith.constant 8 : i32
    %scan3A_99 = arith.addi %scan3A_97, %scan3A_98 : i32
    %scan3A_100 = arith.constant 1 : i32
    scf.for %scan3A_126 = %scan3A_97 to %scan3A_99 step %scan3A_100  : i32 {
      %mul3A_127 = arith.constant 2 : i32
      %mul3A_128 = arith.muli %scan3A_126, %mul3A_127 : i32
      %add3A_129 = arith.constant 0 : i32
      %add3A_130 = arith.addi %mul3A_128, %add3A_129 : i32
      %gt3A = arith.constant 0 : i32
      %gt3A_131 = arith.cmpi sgt, %scan3A_126, %gt3A : i32
      %convert_element_type3A = arith.extui %gt3A_131 : i1 to i32
      %cond3A = arith.constant 0 : i32
      %cond3A_132 = arith.cmpi ne, %convert_element_type3A, %cond3A : i32
      scf.if %cond3A_132 {
        %dma_wait3A_396 = arith.constant 0 : i32
        %dma_wait3A_397 = arith.constant 0 : i32
        %dma_wait3A_398 = tpu.memref_slice %arg5[%dma_wait3A_396, %dma_wait3A_397] : memref<16384x1024xf32, #tpu.memory_space<hbm>> -> memref<8x1024xf32, #tpu.memory_space<hbm>>
        %dma_wait3A_399 = arith.constant 0 : i32
        %dma_wait3A_400 = arith.constant 0 : i32
        %dma_wait3A_401 = tpu.memref_slice %arg5[%dma_wait3A_399, %dma_wait3A_400] : memref<16384x1024xf32, #tpu.memory_space<hbm>> -> memref<8x1024xf32, #tpu.memory_space<hbm>>
        tpu.wait_dma2 semaphore(%arg19 : memref<!tpu.dma_semaphore, #tpu.memory_space<semaphore_mem>>) src(%arg13 : memref<8x1024xf32, #tpu.memory_space<vmem>>) dst(%dma_wait3A_401 : memref<8x1024xf32, #tpu.memory_space<hbm>>)
      } else {
      }
      %add3A_133 = arith.constant 1 : i32
      %add3A_134 = arith.addi %add3A_130, %add3A_133 : i32
      %mul3A_135 = arith.constant 8 : i32
      %mul3A_136 = arith.muli %add3A_134, %mul3A_135 : i32
      %add3A_137 = arith.constant 0 : i32
      %add3A_138 = arith.addi %add3A_137, %mul3A_136 : i32
      %dma_start3A_139 = tpu.memref_slice %arg6[%add3A_138] : memref<512xi32, #tpu.memory_space<vmem>> -> memref<8xi32, #tpu.memory_space<vmem>>
      %dma_start3A_140 = arith.constant 0 : i32
      %dma_start3A_141 = arith.constant 0 : i32
      %dma_start3A_142 = tpu.memref_slice %arg3[%dma_start3A_140, %dma_start3A_141] : memref<100000x1024xf32, #tpu.memory_space<hbm>> -> memref<100000x1024xf32, #tpu.memory_space<hbm>>
      tpu.enqueue_indirect_dma source(%dma_start3A_142 : memref<100000x1024xf32, #tpu.memory_space<hbm>>) target(%arg13 : memref<8x1024xf32, #tpu.memory_space<vmem>>) offsets(%dma_start3A_139 : memref<8xi32, #tpu.memory_space<vmem>>) semaphore(%arg18 : memref<!tpu.dma_semaphore, #tpu.memory_space<semaphore_mem>>)
      %dma_wait3A_143 = arith.constant 0 : i32
      %dma_wait3A_144 = arith.constant 0 : i32
      %dma_wait3A_145 = tpu.memref_slice %arg4[%dma_wait3A_143, %dma_wait3A_144] : memref<4096x1024xf32, #tpu.memory_space<hbm>> -> memref<8x1024xf32, #tpu.memory_space<hbm>>
      %dma_wait3A_146 = arith.constant 0 : i32
      %dma_wait3A_147 = arith.constant 0 : i32
      %dma_wait3A_148 = tpu.memref_slice %arg4[%dma_wait3A_146, %dma_wait3A_147] : memref<4096x1024xf32, #tpu.memory_space<hbm>> -> memref<8x1024xf32, #tpu.memory_space<hbm>>
      tpu.wait_dma2 semaphore(%arg17 : memref<!tpu.dma_semaphore, #tpu.memory_space<semaphore_mem>>) src(%dma_wait3A_148 : memref<8x1024xf32, #tpu.memory_space<hbm>>) dst(%arg7 : memref<8x1024xf32, #tpu.memory_space<vmem>>)
      %add3A_149 = arith.constant 1 : i32
      %add3A_150 = arith.addi %add3A_130, %add3A_149 : i32
      %mul3A_151 = arith.constant 8 : i32
      %mul3A_152 = arith.muli %add3A_150, %mul3A_151 : i32
      %add3A_153 = arith.addi %mul3A_2, %mul3A_152 : i32
      %dma_start3A_154 = arith.constant 0 : i32
      %dma_start3A_155 = tpu.memref_slice %arg4[%add3A_153, %dma_start3A_154] : memref<4096x1024xf32, #tpu.memory_space<hbm>> -> memref<8x1024xf32, #tpu.memory_space<hbm>>
      %dma_start3A_156 = arith.constant 0 : i32
      %dma_start3A_157 = tpu.memref_slice %arg4[%add3A_153, %dma_start3A_156] : memref<4096x1024xf32, #tpu.memory_space<hbm>> -> memref<8x1024xf32, #tpu.memory_space<hbm>>
      tpu.enqueue_dma source(%dma_start3A_157 : memref<8x1024xf32, #tpu.memory_space<hbm>>) target(%arg8 : memref<8x1024xf32, #tpu.memory_space<vmem>>) target_semaphore(%arg17 : memref<!tpu.dma_semaphore, #tpu.memory_space<semaphore_mem>>)
      %dma_wait3A_158 = arith.constant 0 : i32
      %dma_wait3A_159 = tpu.memref_slice %arg6[%dma_wait3A_158] : memref<512xi32, #tpu.memory_space<vmem>> -> memref<8xi32, #tpu.memory_space<vmem>>
      %dma_wait3A_160 = arith.constant 0 : i32
      %dma_wait3A_161 = arith.constant 0 : i32
      %dma_wait3A_162 = tpu.memref_slice %arg3[%dma_wait3A_160, %dma_wait3A_161] : memref<100000x1024xf32, #tpu.memory_space<hbm>> -> memref<100000x1024xf32, #tpu.memory_space<hbm>>
      tpu.wait_indirect_dma semaphore(%arg18 : memref<!tpu.dma_semaphore, #tpu.memory_space<semaphore_mem>>) src(%dma_wait3A_162 : memref<100000x1024xf32, #tpu.memory_space<hbm>>) dst(%arg9 : memref<8x1024xf32, #tpu.memory_space<vmem>>)
      %parallel_loop3A = arith.constant 0 : i32
      %parallel_loop3A_163 = arith.constant 512 : i32
      %parallel_loop3A_164 = arith.constant 1 : i32
      scf.for %parallel_loop3A_396 = %parallel_loop3A to %parallel_loop3A_163 step %parallel_loop3A_164  : i32 {
        %parallel_loop3A_397 = arith.constant 64 : i32
        %parallel_loop3A_398 = arith.divsi %parallel_loop3A_396, %parallel_loop3A_397 : i32
        %parallel_loop3A_399 = arith.constant 0 : i32
        %parallel_loop3A_400 = arith.cmpi sgt, %parallel_loop3A_396, %parallel_loop3A_399 : i32
        %parallel_loop3A_401 = arith.extui %parallel_loop3A_400 : i1 to i32
        %parallel_loop3A_402 = arith.constant 0 : i32
        %parallel_loop3A_403 = arith.cmpi slt, %parallel_loop3A_396, %parallel_loop3A_402 : i32
        %parallel_loop3A_404 = arith.extui %parallel_loop3A_403 : i1 to i32
        %parallel_loop3A_405 = arith.subi %parallel_loop3A_401, %parallel_loop3A_404 : i32
        %parallel_loop3A_406 = arith.constant 0 : i32
        %parallel_loop3A_407 = arith.cmpi sgt, %parallel_loop3A_397, %parallel_loop3A_406 : i32
        %parallel_loop3A_408 = arith.extui %parallel_loop3A_407 : i1 to i32
        %parallel_loop3A_409 = arith.constant 0 : i32
        %parallel_loop3A_410 = arith.cmpi slt, %parallel_loop3A_397, %parallel_loop3A_409 : i32
        %parallel_loop3A_411 = arith.extui %parallel_loop3A_410 : i1 to i32
        %parallel_loop3A_412 = arith.subi %parallel_loop3A_408, %parallel_loop3A_411 : i32
        %parallel_loop3A_413 = arith.cmpi ne, %parallel_loop3A_405, %parallel_loop3A_412 : i32
        %parallel_loop3A_414 = arith.remsi %parallel_loop3A_396, %parallel_loop3A_397 : i32
        %parallel_loop3A_415 = arith.constant 0 : i32
        %parallel_loop3A_416 = arith.cmpi ne, %parallel_loop3A_414, %parallel_loop3A_415 : i32
        %parallel_loop3A_417 = arith.andi %parallel_loop3A_413, %parallel_loop3A_416 : i1
        %parallel_loop3A_418 = arith.constant 1 : i32
        %parallel_loop3A_419 = arith.subi %parallel_loop3A_398, %parallel_loop3A_418 : i32
        %parallel_loop3A_420 = arith.select %parallel_loop3A_417, %parallel_loop3A_419, %parallel_loop3A_398 : i32
        %parallel_loop3A_421 = arith.constant 64 : i32
        %parallel_loop3A_422 = arith.constant 0 : i32
        %parallel_loop3A_423 = arith.cmpi eq, %parallel_loop3A_421, %parallel_loop3A_422 : i32
        %parallel_loop3A_424 = arith.constant 1 : i32
        %parallel_loop3A_425 = arith.select %parallel_loop3A_423, %parallel_loop3A_424, %parallel_loop3A_421 : i32
        %parallel_loop3A_426 = arith.remsi %parallel_loop3A_396, %parallel_loop3A_425 : i32
        %parallel_loop3A_427 = arith.constant 0 : i32
        %parallel_loop3A_428 = arith.cmpi ne, %parallel_loop3A_426, %parallel_loop3A_427 : i32
        %parallel_loop3A_429 = arith.constant 0 : i32
        %parallel_loop3A_430 = arith.cmpi slt, %parallel_loop3A_426, %parallel_loop3A_429 : i32
        %parallel_loop3A_431 = arith.constant 0 : i32
        %parallel_loop3A_432 = arith.cmpi slt, %parallel_loop3A_425, %parallel_loop3A_431 : i32
        %parallel_loop3A_433 = arith.xori %parallel_loop3A_430, %parallel_loop3A_432 : i1
        %parallel_loop3A_434 = arith.andi %parallel_loop3A_433, %parallel_loop3A_428 : i1
        %parallel_loop3A_435 = arith.addi %parallel_loop3A_426, %parallel_loop3A_425 : i32
        %parallel_loop3A_436 = arith.select %parallel_loop3A_434, %parallel_loop3A_435, %parallel_loop3A_426 : i32
        %parallel_loop3A_437 = arith.constant 16 : i32
        %parallel_loop3A_438 = arith.muli %parallel_loop3A_436, %parallel_loop3A_437 : i32
        %parallel_loop3A_439 = arith.index_cast %parallel_loop3A_420 : i32 to index
        %parallel_loop3A_440 = arith.index_cast %parallel_loop3A_438 : i32 to index
        %parallel_loop3A_441 = tpu.vector_load %arg7[%parallel_loop3A_439, %parallel_loop3A_440] {strides = array<i32>} : memref<8x1024xf32, #tpu.memory_space<vmem>>, vector<1x16xf32>,
        %parallel_loop3A_442 = vector.shape_cast %parallel_loop3A_441 : vector<1x16xf32> to vector<16xf32>
        %parallel_loop3A_443 = arith.index_cast %parallel_loop3A_420 : i32 to index
        %parallel_loop3A_444 = arith.index_cast %parallel_loop3A_438 : i32 to index
        %parallel_loop3A_445 = tpu.vector_load %arg9[%parallel_loop3A_443, %parallel_loop3A_444] {strides = array<i32>} : memref<8x1024xf32, #tpu.memory_space<vmem>>, vector<1x16xf32>,
        %parallel_loop3A_446 = vector.shape_cast %parallel_loop3A_445 : vector<1x16xf32> to vector<16xf32>
        %parallel_loop3A_447 = vector.shape_cast %parallel_loop3A_442 : vector<16xf32> to vector<1x16xf32>
        tpu.vector_store %arg9[%parallel_loop3A_443, %parallel_loop3A_444], %parallel_loop3A_447 {add = true, strides = array<i32>} : memref<8x1024xf32, #tpu.memory_space<vmem>>, vector<1x16xf32>,
      } {sc.loop_unroll_factor = 8 : i64, sc.parallel_access}
      %add3A_165 = arith.constant 0 : i32
      %add3A_166 = arith.addi %add3A_165, %mul3A_2 : i32
      %mul3A_167 = arith.constant 8 : i32
      %mul3A_168 = arith.muli %add3A_130, %mul3A_167 : i32
      %add3A_169 = arith.addi %add3A_166, %mul3A_168 : i32
      %dma_start3A_170 = arith.constant 0 : i32
      %dma_start3A_171 = tpu.memref_slice %arg5[%add3A_169, %dma_start3A_170] : memref<16384x1024xf32, #tpu.memory_space<hbm>> -> memref<8x1024xf32, #tpu.memory_space<hbm>>
      %dma_start3A_172 = arith.constant 0 : i32
      %dma_start3A_173 = tpu.memref_slice %arg5[%add3A_169, %dma_start3A_172] : memref<16384x1024xf32, #tpu.memory_space<hbm>> -> memref<8x1024xf32, #tpu.memory_space<hbm>>
      tpu.enqueue_dma source(%arg9 : memref<8x1024xf32, #tpu.memory_space<vmem>>) target(%dma_start3A_173 : memref<8x1024xf32, #tpu.memory_space<hbm>>) target_semaphore(%arg19 : memref<!tpu.dma_semaphore, #tpu.memory_space<semaphore_mem>>)
      %gt3A_174 = arith.constant 0 : i32
      %gt3A_175 = arith.cmpi sgt, %scan3A_126, %gt3A_174 : i32
      %convert_element_type3A_176 = arith.extui %gt3A_175 : i1 to i32
      %cond3A_177 = arith.constant 0 : i32
      %cond3A_178 = arith.cmpi ne, %convert_element_type3A_176, %cond3A_177 : i32
      scf.if %cond3A_178 {
        %dma_wait3A_396 = arith.constant 0 : i32
        %dma_wait3A_397 = arith.constant 0 : i32
        %dma_wait3A_398 = tpu.memref_slice %arg5[%dma_wait3A_396, %dma_wait3A_397] : memref<16384x1024xf32, #tpu.memory_space<hbm>> -> memref<8x1024xf32, #tpu.memory_space<hbm>>
        %dma_wait3A_399 = arith.constant 0 : i32
        %dma_wait3A_400 = arith.constant 0 : i32
        %dma_wait3A_401 = tpu.memref_slice %arg5[%dma_wait3A_399, %dma_wait3A_400] : memref<16384x1024xf32, #tpu.memory_space<hbm>> -> memref<8x1024xf32, #tpu.memory_space<hbm>>
        tpu.wait_dma2 semaphore(%arg19 : memref<!tpu.dma_semaphore, #tpu.memory_space<semaphore_mem>>) src(%arg14 : memref<8x1024xf32, #tpu.memory_space<vmem>>) dst(%dma_wait3A_401 : memref<8x1024xf32, #tpu.memory_space<hbm>>)
      } else {
      }
      %add3A_179 = arith.constant 1 : i32
      %add3A_180 = arith.addi %add3A_130, %add3A_179 : i32
      %mul3A_181 = arith.constant 8 : i32
      %mul3A_182 = arith.muli %add3A_180, %mul3A_181 : i32
      %add3A_183 = arith.constant 128 : i32
      %add3A_184 = arith.addi %add3A_183, %mul3A_182 : i32
      %dma_start3A_185 = tpu.memref_slice %arg6[%add3A_184] : memref<512xi32, #tpu.memory_space<vmem>> -> memref<8xi32, #tpu.memory_space<vmem>>
      %dma_start3A_186 = arith.constant 0 : i32
      %dma_start3A_187 = arith.constant 0 : i32
      %dma_start3A_188 = tpu.memref_slice %arg3[%dma_start3A_186, %dma_start3A_187] : memref<100000x1024xf32, #tpu.memory_space<hbm>> -> memref<100000x1024xf32, #tpu.memory_space<hbm>>
      tpu.enqueue_indirect_dma source(%dma_start3A_188 : memref<100000x1024xf32, #tpu.memory_space<hbm>>) target(%arg14 : memref<8x1024xf32, #tpu.memory_space<vmem>>) offsets(%dma_start3A_185 : memref<8xi32, #tpu.memory_space<vmem>>) semaphore(%arg18 : memref<!tpu.dma_semaphore, #tpu.memory_space<semaphore_mem>>)
      %dma_wait3A_189 = arith.constant 0 : i32
      %dma_wait3A_190 = tpu.memref_slice %arg6[%dma_wait3A_189] : memref<512xi32, #tpu.memory_space<vmem>> -> memref<8xi32, #tpu.memory_space<vmem>>
      %dma_wait3A_191 = arith.constant 0 : i32
      %dma_wait3A_192 = arith.constant 0 : i32
      %dma_wait3A_193 = tpu.memref_slice %arg3[%dma_wait3A_191, %dma_wait3A_192] : memref<100000x1024xf32, #tpu.memory_space<hbm>> -> memref<100000x1024xf32, #tpu.memory_space<hbm>>
      tpu.wait_indirect_dma semaphore(%arg18 : memref<!tpu.dma_semaphore, #tpu.memory_space<semaphore_mem>>) src(%dma_wait3A_193 : memref<100000x1024xf32, #tpu.memory_space<hbm>>) dst(%arg10 : memref<8x1024xf32, #tpu.memory_space<vmem>>)
      %parallel_loop3A_194 = arith.constant 0 : i32
      %parallel_loop3A_195 = arith.constant 512 : i32
      %parallel_loop3A_196 = arith.constant 1 : i32
      scf.for %parallel_loop3A_396 = %parallel_loop3A_194 to %parallel_loop3A_195 step %parallel_loop3A_196  : i32 {
        %parallel_loop3A_397 = arith.constant 64 : i32
        %parallel_loop3A_398 = arith.divsi %parallel_loop3A_396, %parallel_loop3A_397 : i32
        %parallel_loop3A_399 = arith.constant 0 : i32
        %parallel_loop3A_400 = arith.cmpi sgt, %parallel_loop3A_396, %parallel_loop3A_399 : i32
        %parallel_loop3A_401 = arith.extui %parallel_loop3A_400 : i1 to i32
        %parallel_loop3A_402 = arith.constant 0 : i32
        %parallel_loop3A_403 = arith.cmpi slt, %parallel_loop3A_396, %parallel_loop3A_402 : i32
        %parallel_loop3A_404 = arith.extui %parallel_loop3A_403 : i1 to i32
        %parallel_loop3A_405 = arith.subi %parallel_loop3A_401, %parallel_loop3A_404 : i32
        %parallel_loop3A_406 = arith.constant 0 : i32
        %parallel_loop3A_407 = arith.cmpi sgt, %parallel_loop3A_397, %parallel_loop3A_406 : i32
        %parallel_loop3A_408 = arith.extui %parallel_loop3A_407 : i1 to i32
        %parallel_loop3A_409 = arith.constant 0 : i32
        %parallel_loop3A_410 = arith.cmpi slt, %parallel_loop3A_397, %parallel_loop3A_409 : i32
        %parallel_loop3A_411 = arith.extui %parallel_loop3A_410 : i1 to i32
        %parallel_loop3A_412 = arith.subi %parallel_loop3A_408, %parallel_loop3A_411 : i32
        %parallel_loop3A_413 = arith.cmpi ne, %parallel_loop3A_405, %parallel_loop3A_412 : i32
        %parallel_loop3A_414 = arith.remsi %parallel_loop3A_396, %parallel_loop3A_397 : i32
        %parallel_loop3A_415 = arith.constant 0 : i32
        %parallel_loop3A_416 = arith.cmpi ne, %parallel_loop3A_414, %parallel_loop3A_415 : i32
        %parallel_loop3A_417 = arith.andi %parallel_loop3A_413, %parallel_loop3A_416 : i1
        %parallel_loop3A_418 = arith.constant 1 : i32
        %parallel_loop3A_419 = arith.subi %parallel_loop3A_398, %parallel_loop3A_418 : i32
        %parallel_loop3A_420 = arith.select %parallel_loop3A_417, %parallel_loop3A_419, %parallel_loop3A_398 : i32
        %parallel_loop3A_421 = arith.constant 64 : i32
        %parallel_loop3A_422 = arith.constant 0 : i32
        %parallel_loop3A_423 = arith.cmpi eq, %parallel_loop3A_421, %parallel_loop3A_422 : i32
        %parallel_loop3A_424 = arith.constant 1 : i32
        %parallel_loop3A_425 = arith.select %parallel_loop3A_423, %parallel_loop3A_424, %parallel_loop3A_421 : i32
        %parallel_loop3A_426 = arith.remsi %parallel_loop3A_396, %parallel_loop3A_425 : i32
        %parallel_loop3A_427 = arith.constant 0 : i32
        %parallel_loop3A_428 = arith.cmpi ne, %parallel_loop3A_426, %parallel_loop3A_427 : i32
        %parallel_loop3A_429 = arith.constant 0 : i32
        %parallel_loop3A_430 = arith.cmpi slt, %parallel_loop3A_426, %parallel_loop3A_429 : i32
        %parallel_loop3A_431 = arith.constant 0 : i32
        %parallel_loop3A_432 = arith.cmpi slt, %parallel_loop3A_425, %parallel_loop3A_431 : i32
        %parallel_loop3A_433 = arith.xori %parallel_loop3A_430, %parallel_loop3A_432 : i1
        %parallel_loop3A_434 = arith.andi %parallel_loop3A_433, %parallel_loop3A_428 : i1
        %parallel_loop3A_435 = arith.addi %parallel_loop3A_426, %parallel_loop3A_425 : i32
        %parallel_loop3A_436 = arith.select %parallel_loop3A_434, %parallel_loop3A_435, %parallel_loop3A_426 : i32
        %parallel_loop3A_437 = arith.constant 16 : i32
        %parallel_loop3A_438 = arith.muli %parallel_loop3A_436, %parallel_loop3A_437 : i32
        %parallel_loop3A_439 = arith.index_cast %parallel_loop3A_420 : i32 to index
        %parallel_loop3A_440 = arith.index_cast %parallel_loop3A_438 : i32 to index
        %parallel_loop3A_441 = tpu.vector_load %arg7[%parallel_loop3A_439, %parallel_loop3A_440] {strides = array<i32>} : memref<8x1024xf32, #tpu.memory_space<vmem>>, vector<1x16xf32>,
        %parallel_loop3A_442 = vector.shape_cast %parallel_loop3A_441 : vector<1x16xf32> to vector<16xf32>
        %parallel_loop3A_443 = arith.index_cast %parallel_loop3A_420 : i32 to index
        %parallel_loop3A_444 = arith.index_cast %parallel_loop3A_438 : i32 to index
        %parallel_loop3A_445 = tpu.vector_load %arg10[%parallel_loop3A_443, %parallel_loop3A_444] {strides = array<i32>} : memref<8x1024xf32, #tpu.memory_space<vmem>>, vector<1x16xf32>,
        %parallel_loop3A_446 = vector.shape_cast %parallel_loop3A_445 : vector<1x16xf32> to vector<16xf32>
        %parallel_loop3A_447 = vector.shape_cast %parallel_loop3A_442 : vector<16xf32> to vector<1x16xf32>
        tpu.vector_store %arg10[%parallel_loop3A_443, %parallel_loop3A_444], %parallel_loop3A_447 {add = true, strides = array<i32>} : memref<8x1024xf32, #tpu.memory_space<vmem>>, vector<1x16xf32>,
      } {sc.loop_unroll_factor = 8 : i64, sc.parallel_access}
      %add3A_197 = arith.constant 4096 : i32
      %add3A_198 = arith.addi %add3A_197, %mul3A_2 : i32
      %mul3A_199 = arith.constant 8 : i32
      %mul3A_200 = arith.muli %add3A_130, %mul3A_199 : i32
      %add3A_201 = arith.addi %add3A_198, %mul3A_200 : i32
      %dma_start3A_202 = arith.constant 0 : i32
      %dma_start3A_203 = tpu.memref_slice %arg5[%add3A_201, %dma_start3A_202] : memref<16384x1024xf32, #tpu.memory_space<hbm>> -> memref<8x1024xf32, #tpu.memory_space<hbm>>
      %dma_start3A_204 = arith.constant 0 : i32
      %dma_start3A_205 = tpu.memref_slice %arg5[%add3A_201, %dma_start3A_204] : memref<16384x1024xf32, #tpu.memory_space<hbm>> -> memref<8x1024xf32, #tpu.memory_space<hbm>>
      tpu.enqueue_dma source(%arg10 : memref<8x1024xf32, #tpu.memory_space<vmem>>) target(%dma_start3A_205 : memref<8x1024xf32, #tpu.memory_space<hbm>>) target_semaphore(%arg19 : memref<!tpu.dma_semaphore, #tpu.memory_space<semaphore_mem>>)
      %gt3A_206 = arith.constant 0 : i32
      %gt3A_207 = arith.cmpi sgt, %scan3A_126, %gt3A_206 : i32
      %convert_element_type3A_208 = arith.extui %gt3A_207 : i1 to i32
      %cond3A_209 = arith.constant 0 : i32
      %cond3A_210 = arith.cmpi ne, %convert_element_type3A_208, %cond3A_209 : i32
      scf.if %cond3A_210 {
        %dma_wait3A_396 = arith.constant 0 : i32
        %dma_wait3A_397 = arith.constant 0 : i32
        %dma_wait3A_398 = tpu.memref_slice %arg5[%dma_wait3A_396, %dma_wait3A_397] : memref<16384x1024xf32, #tpu.memory_space<hbm>> -> memref<8x1024xf32, #tpu.memory_space<hbm>>
        %dma_wait3A_399 = arith.constant 0 : i32
        %dma_wait3A_400 = arith.constant 0 : i32
        %dma_wait3A_401 = tpu.memref_slice %arg5[%dma_wait3A_399, %dma_wait3A_400] : memref<16384x1024xf32, #tpu.memory_space<hbm>> -> memref<8x1024xf32, #tpu.memory_space<hbm>>
        tpu.wait_dma2 semaphore(%arg19 : memref<!tpu.dma_semaphore, #tpu.memory_space<semaphore_mem>>) src(%arg15 : memref<8x1024xf32, #tpu.memory_space<vmem>>) dst(%dma_wait3A_401 : memref<8x1024xf32, #tpu.memory_space<hbm>>)
      } else {
      }
      %add3A_211 = arith.constant 1 : i32
      %add3A_212 = arith.addi %add3A_130, %add3A_211 : i32
      %mul3A_213 = arith.constant 8 : i32
      %mul3A_214 = arith.muli %add3A_212, %mul3A_213 : i32
      %add3A_215 = arith.constant 256 : i32
      %add3A_216 = arith.addi %add3A_215, %mul3A_214 : i32
      %dma_start3A_217 = tpu.memref_slice %arg6[%add3A_216] : memref<512xi32, #tpu.memory_space<vmem>> -> memref<8xi32, #tpu.memory_space<vmem>>
      %dma_start3A_218 = arith.constant 0 : i32
      %dma_start3A_219 = arith.constant 0 : i32
      %dma_start3A_220 = tpu.memref_slice %arg3[%dma_start3A_218, %dma_start3A_219] : memref<100000x1024xf32, #tpu.memory_space<hbm>> -> memref<100000x1024xf32, #tpu.memory_space<hbm>>
      tpu.enqueue_indirect_dma source(%dma_start3A_220 : memref<100000x1024xf32, #tpu.memory_space<hbm>>) target(%arg15 : memref<8x1024xf32, #tpu.memory_space<vmem>>) offsets(%dma_start3A_217 : memref<8xi32, #tpu.memory_space<vmem>>) semaphore(%arg18 : memref<!tpu.dma_semaphore, #tpu.memory_space<semaphore_mem>>)
      %dma_wait3A_221 = arith.constant 0 : i32
      %dma_wait3A_222 = tpu.memref_slice %arg6[%dma_wait3A_221] : memref<512xi32, #tpu.memory_space<vmem>> -> memref<8xi32, #tpu.memory_space<vmem>>
      %dma_wait3A_223 = arith.constant 0 : i32
      %dma_wait3A_224 = arith.constant 0 : i32
      %dma_wait3A_225 = tpu.memref_slice %arg3[%dma_wait3A_223, %dma_wait3A_224] : memref<100000x1024xf32, #tpu.memory_space<hbm>> -> memref<100000x1024xf32, #tpu.memory_space<hbm>>
      tpu.wait_indirect_dma semaphore(%arg18 : memref<!tpu.dma_semaphore, #tpu.memory_space<semaphore_mem>>) src(%dma_wait3A_225 : memref<100000x1024xf32, #tpu.memory_space<hbm>>) dst(%arg11 : memref<8x1024xf32, #tpu.memory_space<vmem>>)
      %parallel_loop3A_226 = arith.constant 0 : i32
      %parallel_loop3A_227 = arith.constant 512 : i32
      %parallel_loop3A_228 = arith.constant 1 : i32
      scf.for %parallel_loop3A_396 = %parallel_loop3A_226 to %parallel_loop3A_227 step %parallel_loop3A_228  : i32 {
        %parallel_loop3A_397 = arith.constant 64 : i32
        %parallel_loop3A_398 = arith.divsi %parallel_loop3A_396, %parallel_loop3A_397 : i32
        %parallel_loop3A_399 = arith.constant 0 : i32
        %parallel_loop3A_400 = arith.cmpi sgt, %parallel_loop3A_396, %parallel_loop3A_399 : i32
        %parallel_loop3A_401 = arith.extui %parallel_loop3A_400 : i1 to i32
        %parallel_loop3A_402 = arith.constant 0 : i32
        %parallel_loop3A_403 = arith.cmpi slt, %parallel_loop3A_396, %parallel_loop3A_402 : i32
        %parallel_loop3A_404 = arith.extui %parallel_loop3A_403 : i1 to i32
        %parallel_loop3A_405 = arith.subi %parallel_loop3A_401, %parallel_loop3A_404 : i32
        %parallel_loop3A_406 = arith.constant 0 : i32
        %parallel_loop3A_407 = arith.cmpi sgt, %parallel_loop3A_397, %parallel_loop3A_406 : i32
        %parallel_loop3A_408 = arith.extui %parallel_loop3A_407 : i1 to i32
        %parallel_loop3A_409 = arith.constant 0 : i32
        %parallel_loop3A_410 = arith.cmpi slt, %parallel_loop3A_397, %parallel_loop3A_409 : i32
        %parallel_loop3A_411 = arith.extui %parallel_loop3A_410 : i1 to i32
        %parallel_loop3A_412 = arith.subi %parallel_loop3A_408, %parallel_loop3A_411 : i32
        %parallel_loop3A_413 = arith.cmpi ne, %parallel_loop3A_405, %parallel_loop3A_412 : i32
        %parallel_loop3A_414 = arith.remsi %parallel_loop3A_396, %parallel_loop3A_397 : i32
        %parallel_loop3A_415 = arith.constant 0 : i32
        %parallel_loop3A_416 = arith.cmpi ne, %parallel_loop3A_414, %parallel_loop3A_415 : i32
        %parallel_loop3A_417 = arith.andi %parallel_loop3A_413, %parallel_loop3A_416 : i1
        %parallel_loop3A_418 = arith.constant 1 : i32
        %parallel_loop3A_419 = arith.subi %parallel_loop3A_398, %parallel_loop3A_418 : i32
        %parallel_loop3A_420 = arith.select %parallel_loop3A_417, %parallel_loop3A_419, %parallel_loop3A_398 : i32
        %parallel_loop3A_421 = arith.constant 64 : i32
        %parallel_loop3A_422 = arith.constant 0 : i32
        %parallel_loop3A_423 = arith.cmpi eq, %parallel_loop3A_421, %parallel_loop3A_422 : i32
        %parallel_loop3A_424 = arith.constant 1 : i32
        %parallel_loop3A_425 = arith.select %parallel_loop3A_423, %parallel_loop3A_424, %parallel_loop3A_421 : i32
        %parallel_loop3A_426 = arith.remsi %parallel_loop3A_396, %parallel_loop3A_425 : i32
        %parallel_loop3A_427 = arith.constant 0 : i32
        %parallel_loop3A_428 = arith.cmpi ne, %parallel_loop3A_426, %parallel_loop3A_427 : i32
        %parallel_loop3A_429 = arith.constant 0 : i32
        %parallel_loop3A_430 = arith.cmpi slt, %parallel_loop3A_426, %parallel_loop3A_429 : i32
        %parallel_loop3A_431 = arith.constant 0 : i32
        %parallel_loop3A_432 = arith.cmpi slt, %parallel_loop3A_425, %parallel_loop3A_431 : i32
        %parallel_loop3A_433 = arith.xori %parallel_loop3A_430, %parallel_loop3A_432 : i1
        %parallel_loop3A_434 = arith.andi %parallel_loop3A_433, %parallel_loop3A_428 : i1
        %parallel_loop3A_435 = arith.addi %parallel_loop3A_426, %parallel_loop3A_425 : i32
        %parallel_loop3A_436 = arith.select %parallel_loop3A_434, %parallel_loop3A_435, %parallel_loop3A_426 : i32
        %parallel_loop3A_437 = arith.constant 16 : i32
        %parallel_loop3A_438 = arith.muli %parallel_loop3A_436, %parallel_loop3A_437 : i32
        %parallel_loop3A_439 = arith.index_cast %parallel_loop3A_420 : i32 to index
        %parallel_loop3A_440 = arith.index_cast %parallel_loop3A_438 : i32 to index
        %parallel_loop3A_441 = tpu.vector_load %arg7[%parallel_loop3A_439, %parallel_loop3A_440] {strides = array<i32>} : memref<8x1024xf32, #tpu.memory_space<vmem>>, vector<1x16xf32>,
        %parallel_loop3A_442 = vector.shape_cast %parallel_loop3A_441 : vector<1x16xf32> to vector<16xf32>
        %parallel_loop3A_443 = arith.index_cast %parallel_loop3A_420 : i32 to index
        %parallel_loop3A_444 = arith.index_cast %parallel_loop3A_438 : i32 to index
        %parallel_loop3A_445 = tpu.vector_load %arg11[%parallel_loop3A_443, %parallel_loop3A_444] {strides = array<i32>} : memref<8x1024xf32, #tpu.memory_space<vmem>>, vector<1x16xf32>,
        %parallel_loop3A_446 = vector.shape_cast %parallel_loop3A_445 : vector<1x16xf32> to vector<16xf32>
        %parallel_loop3A_447 = vector.shape_cast %parallel_loop3A_442 : vector<16xf32> to vector<1x16xf32>
        tpu.vector_store %arg11[%parallel_loop3A_443, %parallel_loop3A_444], %parallel_loop3A_447 {add = true, strides = array<i32>} : memref<8x1024xf32, #tpu.memory_space<vmem>>, vector<1x16xf32>,
      } {sc.loop_unroll_factor = 8 : i64, sc.parallel_access}
      %add3A_229 = arith.constant 8192 : i32
      %add3A_230 = arith.addi %add3A_229, %mul3A_2 : i32
      %mul3A_231 = arith.constant 8 : i32
      %mul3A_232 = arith.muli %add3A_130, %mul3A_231 : i32
      %add3A_233 = arith.addi %add3A_230, %mul3A_232 : i32
      %dma_start3A_234 = arith.constant 0 : i32
      %dma_start3A_235 = tpu.memref_slice %arg5[%add3A_233, %dma_start3A_234] : memref<16384x1024xf32, #tpu.memory_space<hbm>> -> memref<8x1024xf32, #tpu.memory_space<hbm>>
      %dma_start3A_236 = arith.constant 0 : i32
      %dma_start3A_237 = tpu.memref_slice %arg5[%add3A_233, %dma_start3A_236] : memref<16384x1024xf32, #tpu.memory_space<hbm>> -> memref<8x1024xf32, #tpu.memory_space<hbm>>
      tpu.enqueue_dma source(%arg11 : memref<8x1024xf32, #tpu.memory_space<vmem>>) target(%dma_start3A_237 : memref<8x1024xf32, #tpu.memory_space<hbm>>) target_semaphore(%arg19 : memref<!tpu.dma_semaphore, #tpu.memory_space<semaphore_mem>>)
      %gt3A_238 = arith.constant 0 : i32
      %gt3A_239 = arith.cmpi sgt, %scan3A_126, %gt3A_238 : i32
      %convert_element_type3A_240 = arith.extui %gt3A_239 : i1 to i32
      %cond3A_241 = arith.constant 0 : i32
      %cond3A_242 = arith.cmpi ne, %convert_element_type3A_240, %cond3A_241 : i32
      scf.if %cond3A_242 {
        %dma_wait3A_396 = arith.constant 0 : i32
        %dma_wait3A_397 = arith.constant 0 : i32
        %dma_wait3A_398 = tpu.memref_slice %arg5[%dma_wait3A_396, %dma_wait3A_397] : memref<16384x1024xf32, #tpu.memory_space<hbm>> -> memref<8x1024xf32, #tpu.memory_space<hbm>>
        %dma_wait3A_399 = arith.constant 0 : i32
        %dma_wait3A_400 = arith.constant 0 : i32
        %dma_wait3A_401 = tpu.memref_slice %arg5[%dma_wait3A_399, %dma_wait3A_400] : memref<16384x1024xf32, #tpu.memory_space<hbm>> -> memref<8x1024xf32, #tpu.memory_space<hbm>>
        tpu.wait_dma2 semaphore(%arg19 : memref<!tpu.dma_semaphore, #tpu.memory_space<semaphore_mem>>) src(%arg16 : memref<8x1024xf32, #tpu.memory_space<vmem>>) dst(%dma_wait3A_401 : memref<8x1024xf32, #tpu.memory_space<hbm>>)
      } else {
      }
      %add3A_243 = arith.constant 1 : i32
      %add3A_244 = arith.addi %add3A_130, %add3A_243 : i32
      %mul3A_245 = arith.constant 8 : i32
      %mul3A_246 = arith.muli %add3A_244, %mul3A_245 : i32
      %add3A_247 = arith.constant 384 : i32
      %add3A_248 = arith.addi %add3A_247, %mul3A_246 : i32
      %dma_start3A_249 = tpu.memref_slice %arg6[%add3A_248] : memref<512xi32, #tpu.memory_space<vmem>> -> memref<8xi32, #tpu.memory_space<vmem>>
      %dma_start3A_250 = arith.constant 0 : i32
      %dma_start3A_251 = arith.constant 0 : i32
      %dma_start3A_252 = tpu.memref_slice %arg3[%dma_start3A_250, %dma_start3A_251] : memref<100000x1024xf32, #tpu.memory_space<hbm>> -> memref<100000x1024xf32, #tpu.memory_space<hbm>>
      tpu.enqueue_indirect_dma source(%dma_start3A_252 : memref<100000x1024xf32, #tpu.memory_space<hbm>>) target(%arg16 : memref<8x1024xf32, #tpu.memory_space<vmem>>) offsets(%dma_start3A_249 : memref<8xi32, #tpu.memory_space<vmem>>) semaphore(%arg18 : memref<!tpu.dma_semaphore, #tpu.memory_space<semaphore_mem>>)
      %dma_wait3A_253 = arith.constant 0 : i32
      %dma_wait3A_254 = tpu.memref_slice %arg6[%dma_wait3A_253] : memref<512xi32, #tpu.memory_space<vmem>> -> memref<8xi32, #tpu.memory_space<vmem>>
      %dma_wait3A_255 = arith.constant 0 : i32
      %dma_wait3A_256 = arith.constant 0 : i32
      %dma_wait3A_257 = tpu.memref_slice %arg3[%dma_wait3A_255, %dma_wait3A_256] : memref<100000x1024xf32, #tpu.memory_space<hbm>> -> memref<100000x1024xf32, #tpu.memory_space<hbm>>
      tpu.wait_indirect_dma semaphore(%arg18 : memref<!tpu.dma_semaphore, #tpu.memory_space<semaphore_mem>>) src(%dma_wait3A_257 : memref<100000x1024xf32, #tpu.memory_space<hbm>>) dst(%arg12 : memref<8x1024xf32, #tpu.memory_space<vmem>>)
      %parallel_loop3A_258 = arith.constant 0 : i32
      %parallel_loop3A_259 = arith.constant 512 : i32
      %parallel_loop3A_260 = arith.constant 1 : i32
      scf.for %parallel_loop3A_396 = %parallel_loop3A_258 to %parallel_loop3A_259 step %parallel_loop3A_260  : i32 {
        %parallel_loop3A_397 = arith.constant 64 : i32
        %parallel_loop3A_398 = arith.divsi %parallel_loop3A_396, %parallel_loop3A_397 : i32
        %parallel_loop3A_399 = arith.constant 0 : i32
        %parallel_loop3A_400 = arith.cmpi sgt, %parallel_loop3A_396, %parallel_loop3A_399 : i32
        %parallel_loop3A_401 = arith.extui %parallel_loop3A_400 : i1 to i32
        %parallel_loop3A_402 = arith.constant 0 : i32
        %parallel_loop3A_403 = arith.cmpi slt, %parallel_loop3A_396, %parallel_loop3A_402 : i32
        %parallel_loop3A_404 = arith.extui %parallel_loop3A_403 : i1 to i32
        %parallel_loop3A_405 = arith.subi %parallel_loop3A_401, %parallel_loop3A_404 : i32
        %parallel_loop3A_406 = arith.constant 0 : i32
        %parallel_loop3A_407 = arith.cmpi sgt, %parallel_loop3A_397, %parallel_loop3A_406 : i32
        %parallel_loop3A_408 = arith.extui %parallel_loop3A_407 : i1 to i32
        %parallel_loop3A_409 = arith.constant 0 : i32
        %parallel_loop3A_410 = arith.cmpi slt, %parallel_loop3A_397, %parallel_loop3A_409 : i32
        %parallel_loop3A_411 = arith.extui %parallel_loop3A_410 : i1 to i32
        %parallel_loop3A_412 = arith.subi %parallel_loop3A_408, %parallel_loop3A_411 : i32
        %parallel_loop3A_413 = arith.cmpi ne, %parallel_loop3A_405, %parallel_loop3A_412 : i32
        %parallel_loop3A_414 = arith.remsi %parallel_loop3A_396, %parallel_loop3A_397 : i32
        %parallel_loop3A_415 = arith.constant 0 : i32
        %parallel_loop3A_416 = arith.cmpi ne, %parallel_loop3A_414, %parallel_loop3A_415 : i32
        %parallel_loop3A_417 = arith.andi %parallel_loop3A_413, %parallel_loop3A_416 : i1
        %parallel_loop3A_418 = arith.constant 1 : i32
        %parallel_loop3A_419 = arith.subi %parallel_loop3A_398, %parallel_loop3A_418 : i32
        %parallel_loop3A_420 = arith.select %parallel_loop3A_417, %parallel_loop3A_419, %parallel_loop3A_398 : i32
        %parallel_loop3A_421 = arith.constant 64 : i32
        %parallel_loop3A_422 = arith.constant 0 : i32
        %parallel_loop3A_423 = arith.cmpi eq, %parallel_loop3A_421, %parallel_loop3A_422 : i32
        %parallel_loop3A_424 = arith.constant 1 : i32
        %parallel_loop3A_425 = arith.select %parallel_loop3A_423, %parallel_loop3A_424, %parallel_loop3A_421 : i32
        %parallel_loop3A_426 = arith.remsi %parallel_loop3A_396, %parallel_loop3A_425 : i32
        %parallel_loop3A_427 = arith.constant 0 : i32
        %parallel_loop3A_428 = arith.cmpi ne, %parallel_loop3A_426, %parallel_loop3A_427 : i32
        %parallel_loop3A_429 = arith.constant 0 : i32
        %parallel_loop3A_430 = arith.cmpi slt, %parallel_loop3A_426, %parallel_loop3A_429 : i32
        %parallel_loop3A_431 = arith.constant 0 : i32
        %parallel_loop3A_432 = arith.cmpi slt, %parallel_loop3A_425, %parallel_loop3A_431 : i32
        %parallel_loop3A_433 = arith.xori %parallel_loop3A_430, %parallel_loop3A_432 : i1
        %parallel_loop3A_434 = arith.andi %parallel_loop3A_433, %parallel_loop3A_428 : i1
        %parallel_loop3A_435 = arith.addi %parallel_loop3A_426, %parallel_loop3A_425 : i32
        %parallel_loop3A_436 = arith.select %parallel_loop3A_434, %parallel_loop3A_435, %parallel_loop3A_426 : i32
        %parallel_loop3A_437 = arith.constant 16 : i32
        %parallel_loop3A_438 = arith.muli %parallel_loop3A_436, %parallel_loop3A_437 : i32
        %parallel_loop3A_439 = arith.index_cast %parallel_loop3A_420 : i32 to index
        %parallel_loop3A_440 = arith.index_cast %parallel_loop3A_438 : i32 to index
        %parallel_loop3A_441 = tpu.vector_load %arg7[%parallel_loop3A_439, %parallel_loop3A_440] {strides = array<i32>} : memref<8x1024xf32, #tpu.memory_space<vmem>>, vector<1x16xf32>,
        %parallel_loop3A_442 = vector.shape_cast %parallel_loop3A_441 : vector<1x16xf32> to vector<16xf32>
        %parallel_loop3A_443 = arith.index_cast %parallel_loop3A_420 : i32 to index
        %parallel_loop3A_444 = arith.index_cast %parallel_loop3A_438 : i32 to index
        %parallel_loop3A_445 = tpu.vector_load %arg12[%parallel_loop3A_443, %parallel_loop3A_444] {strides = array<i32>} : memref<8x1024xf32, #tpu.memory_space<vmem>>, vector<1x16xf32>,
        %parallel_loop3A_446 = vector.shape_cast %parallel_loop3A_445 : vector<1x16xf32> to vector<16xf32>
        %parallel_loop3A_447 = vector.shape_cast %parallel_loop3A_442 : vector<16xf32> to vector<1x16xf32>
        tpu.vector_store %arg12[%parallel_loop3A_443, %parallel_loop3A_444], %parallel_loop3A_447 {add = true, strides = array<i32>} : memref<8x1024xf32, #tpu.memory_space<vmem>>, vector<1x16xf32>,
      } {sc.loop_unroll_factor = 8 : i64, sc.parallel_access}
      %add3A_261 = arith.constant 12288 : i32
      %add3A_262 = arith.addi %add3A_261, %mul3A_2 : i32
      %mul3A_263 = arith.constant 8 : i32
      %mul3A_264 = arith.muli %add3A_130, %mul3A_263 : i32
      %add3A_265 = arith.addi %add3A_262, %mul3A_264 : i32
      %dma_start3A_266 = arith.constant 0 : i32
      %dma_start3A_267 = tpu.memref_slice %arg5[%add3A_265, %dma_start3A_266] : memref<16384x1024xf32, #tpu.memory_space<hbm>> -> memref<8x1024xf32, #tpu.memory_space<hbm>>
      %dma_start3A_268 = arith.constant 0 : i32
      %dma_start3A_269 = tpu.memref_slice %arg5[%add3A_265, %dma_start3A_268] : memref<16384x1024xf32, #tpu.memory_space<hbm>> -> memref<8x1024xf32, #tpu.memory_space<hbm>>
      tpu.enqueue_dma source(%arg12 : memref<8x1024xf32, #tpu.memory_space<vmem>>) target(%dma_start3A_269 : memref<8x1024xf32, #tpu.memory_space<hbm>>) target_semaphore(%arg19 : memref<!tpu.dma_semaphore, #tpu.memory_space<semaphore_mem>>)
      %mul3A_270 = arith.constant 2 : i32
      %mul3A_271 = arith.muli %scan3A_126, %mul3A_270 : i32
      %add3A_272 = arith.constant 1 : i32
      %add3A_273 = arith.addi %mul3A_271, %add3A_272 : i32
      %dma_wait3A_274 = arith.constant 0 : i32
      %dma_wait3A_275 = arith.constant 0 : i32
      %dma_wait3A_276 = tpu.memref_slice %arg5[%dma_wait3A_274, %dma_wait3A_275] : memref<16384x1024xf32, #tpu.memory_space<hbm>> -> memref<8x1024xf32, #tpu.memory_space<hbm>>
      %dma_wait3A_277 = arith.constant 0 : i32
      %dma_wait3A_278 = arith.constant 0 : i32
      %dma_wait3A_279 = tpu.memref_slice %arg5[%dma_wait3A_277, %dma_wait3A_278] : memref<16384x1024xf32, #tpu.memory_space<hbm>> -> memref<8x1024xf32, #tpu.memory_space<hbm>>
      tpu.wait_dma2 semaphore(%arg19 : memref<!tpu.dma_semaphore, #tpu.memory_space<semaphore_mem>>) src(%arg9 : memref<8x1024xf32, #tpu.memory_space<vmem>>) dst(%dma_wait3A_279 : memref<8x1024xf32, #tpu.memory_space<hbm>>)
      %lt3A = arith.constant 7 : i32
      %lt3A_280 = arith.cmpi slt, %scan3A_126, %lt3A : i32
      %convert_element_type3A_281 = arith.extui %lt3A_280 : i1 to i32
      %cond3A_282 = arith.constant 0 : i32
      %cond3A_283 = arith.cmpi ne, %convert_element_type3A_281, %cond3A_282 : i32
      scf.if %cond3A_283 {
        %add3A_396 = arith.constant 1 : i32
        %add3A_397 = arith.addi %add3A_273, %add3A_396 : i32
        %mul3A_398 = arith.constant 8 : i32
        %mul3A_399 = arith.muli %add3A_397, %mul3A_398 : i32
        %add3A_400 = arith.constant 0 : i32
        %add3A_401 = arith.addi %add3A_400, %mul3A_399 : i32
        %dma_start3A_402 = tpu.memref_slice %arg6[%add3A_401] : memref<512xi32, #tpu.memory_space<vmem>> -> memref<8xi32, #tpu.memory_space<vmem>>
        %dma_start3A_403 = arith.constant 0 : i32
        %dma_start3A_404 = arith.constant 0 : i32
        %dma_start3A_405 = tpu.memref_slice %arg3[%dma_start3A_403, %dma_start3A_404] : memref<100000x1024xf32, #tpu.memory_space<hbm>> -> memref<100000x1024xf32, #tpu.memory_space<hbm>>
        tpu.enqueue_indirect_dma source(%dma_start3A_405 : memref<100000x1024xf32, #tpu.memory_space<hbm>>) target(%arg9 : memref<8x1024xf32, #tpu.memory_space<vmem>>) offsets(%dma_start3A_402 : memref<8xi32, #tpu.memory_space<vmem>>) semaphore(%arg18 : memref<!tpu.dma_semaphore, #tpu.memory_space<semaphore_mem>>)
      } else {
      }
      %dma_wait3A_284 = arith.constant 0 : i32
      %dma_wait3A_285 = arith.constant 0 : i32
      %dma_wait3A_286 = tpu.memref_slice %arg4[%dma_wait3A_284, %dma_wait3A_285] : memref<4096x1024xf32, #tpu.memory_space<hbm>> -> memref<8x1024xf32, #tpu.memory_space<hbm>>
      %dma_wait3A_287 = arith.constant 0 : i32
      %dma_wait3A_288 = arith.constant 0 : i32
      %dma_wait3A_289 = tpu.memref_slice %arg4[%dma_wait3A_287, %dma_wait3A_288] : memref<4096x1024xf32, #tpu.memory_space<hbm>> -> memref<8x1024xf32, #tpu.memory_space<hbm>>
      tpu.wait_dma2 semaphore(%arg17 : memref<!tpu.dma_semaphore, #tpu.memory_space<semaphore_mem>>) src(%dma_wait3A_289 : memref<8x1024xf32, #tpu.memory_space<hbm>>) dst(%arg8 : memref<8x1024xf32, #tpu.memory_space<vmem>>)
      %lt3A_290 = arith.constant 7 : i32
      %lt3A_291 = arith.cmpi slt, %scan3A_126, %lt3A_290 : i32
      %convert_element_type3A_292 = arith.extui %lt3A_291 : i1 to i32
      %cond3A_293 = arith.constant 0 : i32
      %cond3A_294 = arith.cmpi ne, %convert_element_type3A_292, %cond3A_293 : i32
      scf.if %cond3A_294 {
        %add3A_396 = arith.constant 1 : i32
        %add3A_397 = arith.addi %add3A_273, %add3A_396 : i32
        %mul3A_398 = arith.constant 8 : i32
        %mul3A_399 = arith.muli %add3A_397, %mul3A_398 : i32
        %add3A_400 = arith.addi %mul3A_2, %mul3A_399 : i32
        %dma_start3A_401 = arith.constant 0 : i32
        %dma_start3A_402 = tpu.memref_slice %arg4[%add3A_400, %dma_start3A_401] : memref<4096x1024xf32, #tpu.memory_space<hbm>> -> memref<8x1024xf32, #tpu.memory_space<hbm>>
        %dma_start3A_403 = arith.constant 0 : i32
        %dma_start3A_404 = tpu.memref_slice %arg4[%add3A_400, %dma_start3A_403] : memref<4096x1024xf32, #tpu.memory_space<hbm>> -> memref<8x1024xf32, #tpu.memory_space<hbm>>
        tpu.enqueue_dma source(%dma_start3A_404 : memref<8x1024xf32, #tpu.memory_space<hbm>>) target(%arg7 : memref<8x1024xf32, #tpu.memory_space<vmem>>) target_semaphore(%arg17 : memref<!tpu.dma_semaphore, #tpu.memory_space<semaphore_mem>>)
      } else {
      }
      %dma_wait3A_295 = arith.constant 0 : i32
      %dma_wait3A_296 = tpu.memref_slice %arg6[%dma_wait3A_295] : memref<512xi32, #tpu.memory_space<vmem>> -> memref<8xi32, #tpu.memory_space<vmem>>
      %dma_wait3A_297 = arith.constant 0 : i32
      %dma_wait3A_298 = arith.constant 0 : i32
      %dma_wait3A_299 = tpu.memref_slice %arg3[%dma_wait3A_297, %dma_wait3A_298] : memref<100000x1024xf32, #tpu.memory_space<hbm>> -> memref<100000x1024xf32, #tpu.memory_space<hbm>>
      tpu.wait_indirect_dma semaphore(%arg18 : memref<!tpu.dma_semaphore, #tpu.memory_space<semaphore_mem>>) src(%dma_wait3A_299 : memref<100000x1024xf32, #tpu.memory_space<hbm>>) dst(%arg13 : memref<8x1024xf32, #tpu.memory_space<vmem>>)
      %parallel_loop3A_300 = arith.constant 0 : i32
      %parallel_loop3A_301 = arith.constant 512 : i32
      %parallel_loop3A_302 = arith.constant 1 : i32
      scf.for %parallel_loop3A_396 = %parallel_loop3A_300 to %parallel_loop3A_301 step %parallel_loop3A_302  : i32 {
        %parallel_loop3A_397 = arith.constant 64 : i32
        %parallel_loop3A_398 = arith.divsi %parallel_loop3A_396, %parallel_loop3A_397 : i32
        %parallel_loop3A_399 = arith.constant 0 : i32
        %parallel_loop3A_400 = arith.cmpi sgt, %parallel_loop3A_396, %parallel_loop3A_399 : i32
        %parallel_loop3A_401 = arith.extui %parallel_loop3A_400 : i1 to i32
        %parallel_loop3A_402 = arith.constant 0 : i32
        %parallel_loop3A_403 = arith.cmpi slt, %parallel_loop3A_396, %parallel_loop3A_402 : i32
        %parallel_loop3A_404 = arith.extui %parallel_loop3A_403 : i1 to i32
        %parallel_loop3A_405 = arith.subi %parallel_loop3A_401, %parallel_loop3A_404 : i32
        %parallel_loop3A_406 = arith.constant 0 : i32
        %parallel_loop3A_407 = arith.cmpi sgt, %parallel_loop3A_397, %parallel_loop3A_406 : i32
        %parallel_loop3A_408 = arith.extui %parallel_loop3A_407 : i1 to i32
        %parallel_loop3A_409 = arith.constant 0 : i32
        %parallel_loop3A_410 = arith.cmpi slt, %parallel_loop3A_397, %parallel_loop3A_409 : i32
        %parallel_loop3A_411 = arith.extui %parallel_loop3A_410 : i1 to i32
        %parallel_loop3A_412 = arith.subi %parallel_loop3A_408, %parallel_loop3A_411 : i32
        %parallel_loop3A_413 = arith.cmpi ne, %parallel_loop3A_405, %parallel_loop3A_412 : i32
        %parallel_loop3A_414 = arith.remsi %parallel_loop3A_396, %parallel_loop3A_397 : i32
        %parallel_loop3A_415 = arith.constant 0 : i32
        %parallel_loop3A_416 = arith.cmpi ne, %parallel_loop3A_414, %parallel_loop3A_415 : i32
        %parallel_loop3A_417 = arith.andi %parallel_loop3A_413, %parallel_loop3A_416 : i1
        %parallel_loop3A_418 = arith.constant 1 : i32
        %parallel_loop3A_419 = arith.subi %parallel_loop3A_398, %parallel_loop3A_418 : i32
        %parallel_loop3A_420 = arith.select %parallel_loop3A_417, %parallel_loop3A_419, %parallel_loop3A_398 : i32
        %parallel_loop3A_421 = arith.constant 64 : i32
        %parallel_loop3A_422 = arith.constant 0 : i32
        %parallel_loop3A_423 = arith.cmpi eq, %parallel_loop3A_421, %parallel_loop3A_422 : i32
        %parallel_loop3A_424 = arith.constant 1 : i32
        %parallel_loop3A_425 = arith.select %parallel_loop3A_423, %parallel_loop3A_424, %parallel_loop3A_421 : i32
        %parallel_loop3A_426 = arith.remsi %parallel_loop3A_396, %parallel_loop3A_425 : i32
        %parallel_loop3A_427 = arith.constant 0 : i32
        %parallel_loop3A_428 = arith.cmpi ne, %parallel_loop3A_426, %parallel_loop3A_427 : i32
        %parallel_loop3A_429 = arith.constant 0 : i32
        %parallel_loop3A_430 = arith.cmpi slt, %parallel_loop3A_426, %parallel_loop3A_429 : i32
        %parallel_loop3A_431 = arith.constant 0 : i32
        %parallel_loop3A_432 = arith.cmpi slt, %parallel_loop3A_425, %parallel_loop3A_431 : i32
        %parallel_loop3A_433 = arith.xori %parallel_loop3A_430, %parallel_loop3A_432 : i1
        %parallel_loop3A_434 = arith.andi %parallel_loop3A_433, %parallel_loop3A_428 : i1
        %parallel_loop3A_435 = arith.addi %parallel_loop3A_426, %parallel_loop3A_425 : i32
        %parallel_loop3A_436 = arith.select %parallel_loop3A_434, %parallel_loop3A_435, %parallel_loop3A_426 : i32
        %parallel_loop3A_437 = arith.constant 16 : i32
        %parallel_loop3A_438 = arith.muli %parallel_loop3A_436, %parallel_loop3A_437 : i32
        %parallel_loop3A_439 = arith.index_cast %parallel_loop3A_420 : i32 to index
        %parallel_loop3A_440 = arith.index_cast %parallel_loop3A_438 : i32 to index
        %parallel_loop3A_441 = tpu.vector_load %arg8[%parallel_loop3A_439, %parallel_loop3A_440] {strides = array<i32>} : memref<8x1024xf32, #tpu.memory_space<vmem>>, vector<1x16xf32>,
        %parallel_loop3A_442 = vector.shape_cast %parallel_loop3A_441 : vector<1x16xf32> to vector<16xf32>
        %parallel_loop3A_443 = arith.index_cast %parallel_loop3A_420 : i32 to index
        %parallel_loop3A_444 = arith.index_cast %parallel_loop3A_438 : i32 to index
        %parallel_loop3A_445 = tpu.vector_load %arg13[%parallel_loop3A_443, %parallel_loop3A_444] {strides = array<i32>} : memref<8x1024xf32, #tpu.memory_space<vmem>>, vector<1x16xf32>,
        %parallel_loop3A_446 = vector.shape_cast %parallel_loop3A_445 : vector<1x16xf32> to vector<16xf32>
        %parallel_loop3A_447 = vector.shape_cast %parallel_loop3A_442 : vector<16xf32> to vector<1x16xf32>
        tpu.vector_store %arg13[%parallel_loop3A_443, %parallel_loop3A_444], %parallel_loop3A_447 {add = true, strides = array<i32>} : memref<8x1024xf32, #tpu.memory_space<vmem>>, vector<1x16xf32>,
      } {sc.loop_unroll_factor = 8 : i64, sc.parallel_access}
      %add3A_303 = arith.constant 0 : i32
      %add3A_304 = arith.addi %add3A_303, %mul3A_2 : i32
      %mul3A_305 = arith.constant 8 : i32
      %mul3A_306 = arith.muli %add3A_273, %mul3A_305 : i32
      %add3A_307 = arith.addi %add3A_304, %mul3A_306 : i32
      %dma_start3A_308 = arith.constant 0 : i32
      %dma_start3A_309 = tpu.memref_slice %arg5[%add3A_307, %dma_start3A_308] : memref<16384x1024xf32, #tpu.memory_space<hbm>> -> memref<8x1024xf32, #tpu.memory_space<hbm>>
      %dma_start3A_310 = arith.constant 0 : i32
      %dma_start3A_311 = tpu.memref_slice %arg5[%add3A_307, %dma_start3A_310] : memref<16384x1024xf32, #tpu.memory_space<hbm>> -> memref<8x1024xf32, #tpu.memory_space<hbm>>
      tpu.enqueue_dma source(%arg13 : memref<8x1024xf32, #tpu.memory_space<vmem>>) target(%dma_start3A_311 : memref<8x1024xf32, #tpu.memory_space<hbm>>) target_semaphore(%arg19 : memref<!tpu.dma_semaphore, #tpu.memory_space<semaphore_mem>>)
      %dma_wait3A_312 = arith.constant 0 : i32
      %dma_wait3A_313 = arith.constant 0 : i32
      %dma_wait3A_314 = tpu.memref_slice %arg5[%dma_wait3A_312, %dma_wait3A_313] : memref<16384x1024xf32, #tpu.memory_space<hbm>> -> memref<8x1024xf32, #tpu.memory_space<hbm>>
      %dma_wait3A_315 = arith.constant 0 : i32
      %dma_wait3A_316 = arith.constant 0 : i32
      %dma_wait3A_317 = tpu.memref_slice %arg5[%dma_wait3A_315, %dma_wait3A_316] : memref<16384x1024xf32, #tpu.memory_space<hbm>> -> memref<8x1024xf32, #tpu.memory_space<hbm>>
      tpu.wait_dma2 semaphore(%arg19 : memref<!tpu.dma_semaphore, #tpu.memory_space<semaphore_mem>>) src(%arg10 : memref<8x1024xf32, #tpu.memory_space<vmem>>) dst(%dma_wait3A_317 : memref<8x1024xf32, #tpu.memory_space<hbm>>)
      %lt3A_318 = arith.constant 7 : i32
      %lt3A_319 = arith.cmpi slt, %scan3A_126, %lt3A_318 : i32
      %convert_element_type3A_320 = arith.extui %lt3A_319 : i1 to i32
      %cond3A_321 = arith.constant 0 : i32
      %cond3A_322 = arith.cmpi ne, %convert_element_type3A_320, %cond3A_321 : i32
      scf.if %cond3A_322 {
        %add3A_396 = arith.constant 1 : i32
        %add3A_397 = arith.addi %add3A_273, %add3A_396 : i32
        %mul3A_398 = arith.constant 8 : i32
        %mul3A_399 = arith.muli %add3A_397, %mul3A_398 : i32
        %add3A_400 = arith.constant 128 : i32
        %add3A_401 = arith.addi %add3A_400, %mul3A_399 : i32
        %dma_start3A_402 = tpu.memref_slice %arg6[%add3A_401] : memref<512xi32, #tpu.memory_space<vmem>> -> memref<8xi32, #tpu.memory_space<vmem>>
        %dma_start3A_403 = arith.constant 0 : i32
        %dma_start3A_404 = arith.constant 0 : i32
        %dma_start3A_405 = tpu.memref_slice %arg3[%dma_start3A_403, %dma_start3A_404] : memref<100000x1024xf32, #tpu.memory_space<hbm>> -> memref<100000x1024xf32, #tpu.memory_space<hbm>>
        tpu.enqueue_indirect_dma source(%dma_start3A_405 : memref<100000x1024xf32, #tpu.memory_space<hbm>>) target(%arg10 : memref<8x1024xf32, #tpu.memory_space<vmem>>) offsets(%dma_start3A_402 : memref<8xi32, #tpu.memory_space<vmem>>) semaphore(%arg18 : memref<!tpu.dma_semaphore, #tpu.memory_space<semaphore_mem>>)
      } else {
      }
      %dma_wait3A_323 = arith.constant 0 : i32
      %dma_wait3A_324 = tpu.memref_slice %arg6[%dma_wait3A_323] : memref<512xi32, #tpu.memory_space<vmem>> -> memref<8xi32, #tpu.memory_space<vmem>>
      %dma_wait3A_325 = arith.constant 0 : i32
      %dma_wait3A_326 = arith.constant 0 : i32
      %dma_wait3A_327 = tpu.memref_slice %arg3[%dma_wait3A_325, %dma_wait3A_326] : memref<100000x1024xf32, #tpu.memory_space<hbm>> -> memref<100000x1024xf32, #tpu.memory_space<hbm>>
      tpu.wait_indirect_dma semaphore(%arg18 : memref<!tpu.dma_semaphore, #tpu.memory_space<semaphore_mem>>) src(%dma_wait3A_327 : memref<100000x1024xf32, #tpu.memory_space<hbm>>) dst(%arg14 : memref<8x1024xf32, #tpu.memory_space<vmem>>)
      %parallel_loop3A_328 = arith.constant 0 : i32
      %parallel_loop3A_329 = arith.constant 512 : i32
      %parallel_loop3A_330 = arith.constant 1 : i32
      scf.for %parallel_loop3A_396 = %parallel_loop3A_328 to %parallel_loop3A_329 step %parallel_loop3A_330  : i32 {
        %parallel_loop3A_397 = arith.constant 64 : i32
        %parallel_loop3A_398 = arith.divsi %parallel_loop3A_396, %parallel_loop3A_397 : i32
        %parallel_loop3A_399 = arith.constant 0 : i32
        %parallel_loop3A_400 = arith.cmpi sgt, %parallel_loop3A_396, %parallel_loop3A_399 : i32
        %parallel_loop3A_401 = arith.extui %parallel_loop3A_400 : i1 to i32
        %parallel_loop3A_402 = arith.constant 0 : i32
        %parallel_loop3A_403 = arith.cmpi slt, %parallel_loop3A_396, %parallel_loop3A_402 : i32
        %parallel_loop3A_404 = arith.extui %parallel_loop3A_403 : i1 to i32
        %parallel_loop3A_405 = arith.subi %parallel_loop3A_401, %parallel_loop3A_404 : i32
        %parallel_loop3A_406 = arith.constant 0 : i32
        %parallel_loop3A_407 = arith.cmpi sgt, %parallel_loop3A_397, %parallel_loop3A_406 : i32
        %parallel_loop3A_408 = arith.extui %parallel_loop3A_407 : i1 to i32
        %parallel_loop3A_409 = arith.constant 0 : i32
        %parallel_loop3A_410 = arith.cmpi slt, %parallel_loop3A_397, %parallel_loop3A_409 : i32
        %parallel_loop3A_411 = arith.extui %parallel_loop3A_410 : i1 to i32
        %parallel_loop3A_412 = arith.subi %parallel_loop3A_408, %parallel_loop3A_411 : i32
        %parallel_loop3A_413 = arith.cmpi ne, %parallel_loop3A_405, %parallel_loop3A_412 : i32
        %parallel_loop3A_414 = arith.remsi %parallel_loop3A_396, %parallel_loop3A_397 : i32
        %parallel_loop3A_415 = arith.constant 0 : i32
        %parallel_loop3A_416 = arith.cmpi ne, %parallel_loop3A_414, %parallel_loop3A_415 : i32
        %parallel_loop3A_417 = arith.andi %parallel_loop3A_413, %parallel_loop3A_416 : i1
        %parallel_loop3A_418 = arith.constant 1 : i32
        %parallel_loop3A_419 = arith.subi %parallel_loop3A_398, %parallel_loop3A_418 : i32
        %parallel_loop3A_420 = arith.select %parallel_loop3A_417, %parallel_loop3A_419, %parallel_loop3A_398 : i32
        %parallel_loop3A_421 = arith.constant 64 : i32
        %parallel_loop3A_422 = arith.constant 0 : i32
        %parallel_loop3A_423 = arith.cmpi eq, %parallel_loop3A_421, %parallel_loop3A_422 : i32
        %parallel_loop3A_424 = arith.constant 1 : i32
        %parallel_loop3A_425 = arith.select %parallel_loop3A_423, %parallel_loop3A_424, %parallel_loop3A_421 : i32
        %parallel_loop3A_426 = arith.remsi %parallel_loop3A_396, %parallel_loop3A_425 : i32
        %parallel_loop3A_427 = arith.constant 0 : i32
        %parallel_loop3A_428 = arith.cmpi ne, %parallel_loop3A_426, %parallel_loop3A_427 : i32
        %parallel_loop3A_429 = arith.constant 0 : i32
        %parallel_loop3A_430 = arith.cmpi slt, %parallel_loop3A_426, %parallel_loop3A_429 : i32
        %parallel_loop3A_431 = arith.constant 0 : i32
        %parallel_loop3A_432 = arith.cmpi slt, %parallel_loop3A_425, %parallel_loop3A_431 : i32
        %parallel_loop3A_433 = arith.xori %parallel_loop3A_430, %parallel_loop3A_432 : i1
        %parallel_loop3A_434 = arith.andi %parallel_loop3A_433, %parallel_loop3A_428 : i1
        %parallel_loop3A_435 = arith.addi %parallel_loop3A_426, %parallel_loop3A_425 : i32
        %parallel_loop3A_436 = arith.select %parallel_loop3A_434, %parallel_loop3A_435, %parallel_loop3A_426 : i32
        %parallel_loop3A_437 = arith.constant 16 : i32
        %parallel_loop3A_438 = arith.muli %parallel_loop3A_436, %parallel_loop3A_437 : i32
        %parallel_loop3A_439 = arith.index_cast %parallel_loop3A_420 : i32 to index
        %parallel_loop3A_440 = arith.index_cast %parallel_loop3A_438 : i32 to index
        %parallel_loop3A_441 = tpu.vector_load %arg8[%parallel_loop3A_439, %parallel_loop3A_440] {strides = array<i32>} : memref<8x1024xf32, #tpu.memory_space<vmem>>, vector<1x16xf32>,
        %parallel_loop3A_442 = vector.shape_cast %parallel_loop3A_441 : vector<1x16xf32> to vector<16xf32>
        %parallel_loop3A_443 = arith.index_cast %parallel_loop3A_420 : i32 to index
        %parallel_loop3A_444 = arith.index_cast %parallel_loop3A_438 : i32 to index
        %parallel_loop3A_445 = tpu.vector_load %arg14[%parallel_loop3A_443, %parallel_loop3A_444] {strides = array<i32>} : memref<8x1024xf32, #tpu.memory_space<vmem>>, vector<1x16xf32>,
        %parallel_loop3A_446 = vector.shape_cast %parallel_loop3A_445 : vector<1x16xf32> to vector<16xf32>
        %parallel_loop3A_447 = vector.shape_cast %parallel_loop3A_442 : vector<16xf32> to vector<1x16xf32>
        tpu.vector_store %arg14[%parallel_loop3A_443, %parallel_loop3A_444], %parallel_loop3A_447 {add = true, strides = array<i32>} : memref<8x1024xf32, #tpu.memory_space<vmem>>, vector<1x16xf32>,
      } {sc.loop_unroll_factor = 8 : i64, sc.parallel_access}
      %add3A_331 = arith.constant 4096 : i32
      %add3A_332 = arith.addi %add3A_331, %mul3A_2 : i32
      %mul3A_333 = arith.constant 8 : i32
      %mul3A_334 = arith.muli %add3A_273, %mul3A_333 : i32
      %add3A_335 = arith.addi %add3A_332, %mul3A_334 : i32
      %dma_start3A_336 = arith.constant 0 : i32
      %dma_start3A_337 = tpu.memref_slice %arg5[%add3A_335, %dma_start3A_336] : memref<16384x1024xf32, #tpu.memory_space<hbm>> -> memref<8x1024xf32, #tpu.memory_space<hbm>>
      %dma_start3A_338 = arith.constant 0 : i32
      %dma_start3A_339 = tpu.memref_slice %arg5[%add3A_335, %dma_start3A_338] : memref<16384x1024xf32, #tpu.memory_space<hbm>> -> memref<8x1024xf32, #tpu.memory_space<hbm>>
      tpu.enqueue_dma source(%arg14 : memref<8x1024xf32, #tpu.memory_space<vmem>>) target(%dma_start3A_339 : memref<8x1024xf32, #tpu.memory_space<hbm>>) target_semaphore(%arg19 : memref<!tpu.dma_semaphore, #tpu.memory_space<semaphore_mem>>)
      %dma_wait3A_340 = arith.constant 0 : i32
      %dma_wait3A_341 = arith.constant 0 : i32
      %dma_wait3A_342 = tpu.memref_slice %arg5[%dma_wait3A_340, %dma_wait3A_341] : memref<16384x1024xf32, #tpu.memory_space<hbm>> -> memref<8x1024xf32, #tpu.memory_space<hbm>>
      %dma_wait3A_343 = arith.constant 0 : i32
      %dma_wait3A_344 = arith.constant 0 : i32
      %dma_wait3A_345 = tpu.memref_slice %arg5[%dma_wait3A_343, %dma_wait3A_344] : memref<16384x1024xf32, #tpu.memory_space<hbm>> -> memref<8x1024xf32, #tpu.memory_space<hbm>>
      tpu.wait_dma2 semaphore(%arg19 : memref<!tpu.dma_semaphore, #tpu.memory_space<semaphore_mem>>) src(%arg11 : memref<8x1024xf32, #tpu.memory_space<vmem>>) dst(%dma_wait3A_345 : memref<8x1024xf32, #tpu.memory_space<hbm>>)
      %lt3A_346 = arith.constant 7 : i32
      %lt3A_347 = arith.cmpi slt, %scan3A_126, %lt3A_346 : i32
      %convert_element_type3A_348 = arith.extui %lt3A_347 : i1 to i32
      %cond3A_349 = arith.constant 0 : i32
      %cond3A_350 = arith.cmpi ne, %convert_element_type3A_348, %cond3A_349 : i32
      scf.if %cond3A_350 {
        %add3A_396 = arith.constant 1 : i32
        %add3A_397 = arith.addi %add3A_273, %add3A_396 : i32
        %mul3A_398 = arith.constant 8 : i32
        %mul3A_399 = arith.muli %add3A_397, %mul3A_398 : i32
        %add3A_400 = arith.constant 256 : i32
        %add3A_401 = arith.addi %add3A_400, %mul3A_399 : i32
        %dma_start3A_402 = tpu.memref_slice %arg6[%add3A_401] : memref<512xi32, #tpu.memory_space<vmem>> -> memref<8xi32, #tpu.memory_space<vmem>>
        %dma_start3A_403 = arith.constant 0 : i32
        %dma_start3A_404 = arith.constant 0 : i32
        %dma_start3A_405 = tpu.memref_slice %arg3[%dma_start3A_403, %dma_start3A_404] : memref<100000x1024xf32, #tpu.memory_space<hbm>> -> memref<100000x1024xf32, #tpu.memory_space<hbm>>
        tpu.enqueue_indirect_dma source(%dma_start3A_405 : memref<100000x1024xf32, #tpu.memory_space<hbm>>) target(%arg11 : memref<8x1024xf32, #tpu.memory_space<vmem>>) offsets(%dma_start3A_402 : memref<8xi32, #tpu.memory_space<vmem>>) semaphore(%arg18 : memref<!tpu.dma_semaphore, #tpu.memory_space<semaphore_mem>>)
      } else {
      }
      %dma_wait3A_351 = arith.constant 0 : i32
      %dma_wait3A_352 = tpu.memref_slice %arg6[%dma_wait3A_351] : memref<512xi32, #tpu.memory_space<vmem>> -> memref<8xi32, #tpu.memory_space<vmem>>
      %dma_wait3A_353 = arith.constant 0 : i32
      %dma_wait3A_354 = arith.constant 0 : i32
      %dma_wait3A_355 = tpu.memref_slice %arg3[%dma_wait3A_353, %dma_wait3A_354] : memref<100000x1024xf32, #tpu.memory_space<hbm>> -> memref<100000x1024xf32, #tpu.memory_space<hbm>>
      tpu.wait_indirect_dma semaphore(%arg18 : memref<!tpu.dma_semaphore, #tpu.memory_space<semaphore_mem>>) src(%dma_wait3A_355 : memref<100000x1024xf32, #tpu.memory_space<hbm>>) dst(%arg15 : memref<8x1024xf32, #tpu.memory_space<vmem>>)
      %parallel_loop3A_356 = arith.constant 0 : i32
      %parallel_loop3A_357 = arith.constant 512 : i32
      %parallel_loop3A_358 = arith.constant 1 : i32
      scf.for %parallel_loop3A_396 = %parallel_loop3A_356 to %parallel_loop3A_357 step %parallel_loop3A_358  : i32 {
        %parallel_loop3A_397 = arith.constant 64 : i32
        %parallel_loop3A_398 = arith.divsi %parallel_loop3A_396, %parallel_loop3A_397 : i32
        %parallel_loop3A_399 = arith.constant 0 : i32
        %parallel_loop3A_400 = arith.cmpi sgt, %parallel_loop3A_396, %parallel_loop3A_399 : i32
        %parallel_loop3A_401 = arith.extui %parallel_loop3A_400 : i1 to i32
        %parallel_loop3A_402 = arith.constant 0 : i32
        %parallel_loop3A_403 = arith.cmpi slt, %parallel_loop3A_396, %parallel_loop3A_402 : i32
        %parallel_loop3A_404 = arith.extui %parallel_loop3A_403 : i1 to i32
        %parallel_loop3A_405 = arith.subi %parallel_loop3A_401, %parallel_loop3A_404 : i32
        %parallel_loop3A_406 = arith.constant 0 : i32
        %parallel_loop3A_407 = arith.cmpi sgt, %parallel_loop3A_397, %parallel_loop3A_406 : i32
        %parallel_loop3A_408 = arith.extui %parallel_loop3A_407 : i1 to i32
        %parallel_loop3A_409 = arith.constant 0 : i32
        %parallel_loop3A_410 = arith.cmpi slt, %parallel_loop3A_397, %parallel_loop3A_409 : i32
        %parallel_loop3A_411 = arith.extui %parallel_loop3A_410 : i1 to i32
        %parallel_loop3A_412 = arith.subi %parallel_loop3A_408, %parallel_loop3A_411 : i32
        %parallel_loop3A_413 = arith.cmpi ne, %parallel_loop3A_405, %parallel_loop3A_412 : i32
        %parallel_loop3A_414 = arith.remsi %parallel_loop3A_396, %parallel_loop3A_397 : i32
        %parallel_loop3A_415 = arith.constant 0 : i32
        %parallel_loop3A_416 = arith.cmpi ne, %parallel_loop3A_414, %parallel_loop3A_415 : i32
        %parallel_loop3A_417 = arith.andi %parallel_loop3A_413, %parallel_loop3A_416 : i1
        %parallel_loop3A_418 = arith.constant 1 : i32
        %parallel_loop3A_419 = arith.subi %parallel_loop3A_398, %parallel_loop3A_418 : i32
        %parallel_loop3A_420 = arith.select %parallel_loop3A_417, %parallel_loop3A_419, %parallel_loop3A_398 : i32
        %parallel_loop3A_421 = arith.constant 64 : i32
        %parallel_loop3A_422 = arith.constant 0 : i32
        %parallel_loop3A_423 = arith.cmpi eq, %parallel_loop3A_421, %parallel_loop3A_422 : i32
        %parallel_loop3A_424 = arith.constant 1 : i32
        %parallel_loop3A_425 = arith.select %parallel_loop3A_423, %parallel_loop3A_424, %parallel_loop3A_421 : i32
        %parallel_loop3A_426 = arith.remsi %parallel_loop3A_396, %parallel_loop3A_425 : i32
        %parallel_loop3A_427 = arith.constant 0 : i32
        %parallel_loop3A_428 = arith.cmpi ne, %parallel_loop3A_426, %parallel_loop3A_427 : i32
        %parallel_loop3A_429 = arith.constant 0 : i32
        %parallel_loop3A_430 = arith.cmpi slt, %parallel_loop3A_426, %parallel_loop3A_429 : i32
        %parallel_loop3A_431 = arith.constant 0 : i32
        %parallel_loop3A_432 = arith.cmpi slt, %parallel_loop3A_425, %parallel_loop3A_431 : i32
        %parallel_loop3A_433 = arith.xori %parallel_loop3A_430, %parallel_loop3A_432 : i1
        %parallel_loop3A_434 = arith.andi %parallel_loop3A_433, %parallel_loop3A_428 : i1
        %parallel_loop3A_435 = arith.addi %parallel_loop3A_426, %parallel_loop3A_425 : i32
        %parallel_loop3A_436 = arith.select %parallel_loop3A_434, %parallel_loop3A_435, %parallel_loop3A_426 : i32
        %parallel_loop3A_437 = arith.constant 16 : i32
        %parallel_loop3A_438 = arith.muli %parallel_loop3A_436, %parallel_loop3A_437 : i32
        %parallel_loop3A_439 = arith.index_cast %parallel_loop3A_420 : i32 to index
        %parallel_loop3A_440 = arith.index_cast %parallel_loop3A_438 : i32 to index
        %parallel_loop3A_441 = tpu.vector_load %arg8[%parallel_loop3A_439, %parallel_loop3A_440] {strides = array<i32>} : memref<8x1024xf32, #tpu.memory_space<vmem>>, vector<1x16xf32>,
        %parallel_loop3A_442 = vector.shape_cast %parallel_loop3A_441 : vector<1x16xf32> to vector<16xf32>
        %parallel_loop3A_443 = arith.index_cast %parallel_loop3A_420 : i32 to index
        %parallel_loop3A_444 = arith.index_cast %parallel_loop3A_438 : i32 to index
        %parallel_loop3A_445 = tpu.vector_load %arg15[%parallel_loop3A_443, %parallel_loop3A_444] {strides = array<i32>} : memref<8x1024xf32, #tpu.memory_space<vmem>>, vector<1x16xf32>,
        %parallel_loop3A_446 = vector.shape_cast %parallel_loop3A_445 : vector<1x16xf32> to vector<16xf32>
        %parallel_loop3A_447 = vector.shape_cast %parallel_loop3A_442 : vector<16xf32> to vector<1x16xf32>
        tpu.vector_store %arg15[%parallel_loop3A_443, %parallel_loop3A_444], %parallel_loop3A_447 {add = true, strides = array<i32>} : memref<8x1024xf32, #tpu.memory_space<vmem>>, vector<1x16xf32>,
      } {sc.loop_unroll_factor = 8 : i64, sc.parallel_access}
      %add3A_359 = arith.constant 8192 : i32
      %add3A_360 = arith.addi %add3A_359, %mul3A_2 : i32
      %mul3A_361 = arith.constant 8 : i32
      %mul3A_362 = arith.muli %add3A_273, %mul3A_361 : i32
      %add3A_363 = arith.addi %add3A_360, %mul3A_362 : i32
      %dma_start3A_364 = arith.constant 0 : i32
      %dma_start3A_365 = tpu.memref_slice %arg5[%add3A_363, %dma_start3A_364] : memref<16384x1024xf32, #tpu.memory_space<hbm>> -> memref<8x1024xf32, #tpu.memory_space<hbm>>
      %dma_start3A_366 = arith.constant 0 : i32
      %dma_start3A_367 = tpu.memref_slice %arg5[%add3A_363, %dma_start3A_366] : memref<16384x1024xf32, #tpu.memory_space<hbm>> -> memref<8x1024xf32, #tpu.memory_space<hbm>>
      tpu.enqueue_dma source(%arg15 : memref<8x1024xf32, #tpu.memory_space<vmem>>) target(%dma_start3A_367 : memref<8x1024xf32, #tpu.memory_space<hbm>>) target_semaphore(%arg19 : memref<!tpu.dma_semaphore, #tpu.memory_space<semaphore_mem>>)
      %dma_wait3A_368 = arith.constant 0 : i32
      %dma_wait3A_369 = arith.constant 0 : i32
      %dma_wait3A_370 = tpu.memref_slice %arg5[%dma_wait3A_368, %dma_wait3A_369] : memref<16384x1024xf32, #tpu.memory_space<hbm>> -> memref<8x1024xf32, #tpu.memory_space<hbm>>
      %dma_wait3A_371 = arith.constant 0 : i32
      %dma_wait3A_372 = arith.constant 0 : i32
      %dma_wait3A_373 = tpu.memref_slice %arg5[%dma_wait3A_371, %dma_wait3A_372] : memref<16384x1024xf32, #tpu.memory_space<hbm>> -> memref<8x1024xf32, #tpu.memory_space<hbm>>
      tpu.wait_dma2 semaphore(%arg19 : memref<!tpu.dma_semaphore, #tpu.memory_space<semaphore_mem>>) src(%arg12 : memref<8x1024xf32, #tpu.memory_space<vmem>>) dst(%dma_wait3A_373 : memref<8x1024xf32, #tpu.memory_space<hbm>>)
      %lt3A_374 = arith.constant 7 : i32
      %lt3A_375 = arith.cmpi slt, %scan3A_126, %lt3A_374 : i32
      %convert_element_type3A_376 = arith.extui %lt3A_375 : i1 to i32
      %cond3A_377 = arith.constant 0 : i32
      %cond3A_378 = arith.cmpi ne, %convert_element_type3A_376, %cond3A_377 : i32
      scf.if %cond3A_378 {
        %add3A_396 = arith.constant 1 : i32
        %add3A_397 = arith.addi %add3A_273, %add3A_396 : i32
        %mul3A_398 = arith.constant 8 : i32
        %mul3A_399 = arith.muli %add3A_397, %mul3A_398 : i32
        %add3A_400 = arith.constant 384 : i32
        %add3A_401 = arith.addi %add3A_400, %mul3A_399 : i32
        %dma_start3A_402 = tpu.memref_slice %arg6[%add3A_401] : memref<512xi32, #tpu.memory_space<vmem>> -> memref<8xi32, #tpu.memory_space<vmem>>
        %dma_start3A_403 = arith.constant 0 : i32
        %dma_start3A_404 = arith.constant 0 : i32
        %dma_start3A_405 = tpu.memref_slice %arg3[%dma_start3A_403, %dma_start3A_404] : memref<100000x1024xf32, #tpu.memory_space<hbm>> -> memref<100000x1024xf32, #tpu.memory_space<hbm>>
        tpu.enqueue_indirect_dma source(%dma_start3A_405 : memref<100000x1024xf32, #tpu.memory_space<hbm>>) target(%arg12 : memref<8x1024xf32, #tpu.memory_space<vmem>>) offsets(%dma_start3A_402 : memref<8xi32, #tpu.memory_space<vmem>>) semaphore(%arg18 : memref<!tpu.dma_semaphore, #tpu.memory_space<semaphore_mem>>)
      } else {
      }
      %dma_wait3A_379 = arith.constant 0 : i32
      %dma_wait3A_380 = tpu.memref_slice %arg6[%dma_wait3A_379] : memref<512xi32, #tpu.memory_space<vmem>> -> memref<8xi32, #tpu.memory_space<vmem>>
      %dma_wait3A_381 = arith.constant 0 : i32
      %dma_wait3A_382 = arith.constant 0 : i32
      %dma_wait3A_383 = tpu.memref_slice %arg3[%dma_wait3A_381, %dma_wait3A_382] : memref<100000x1024xf32, #tpu.memory_space<hbm>> -> memref<100000x1024xf32, #tpu.memory_space<hbm>>
      tpu.wait_indirect_dma semaphore(%arg18 : memref<!tpu.dma_semaphore, #tpu.memory_space<semaphore_mem>>) src(%dma_wait3A_383 : memref<100000x1024xf32, #tpu.memory_space<hbm>>) dst(%arg16 : memref<8x1024xf32, #tpu.memory_space<vmem>>)
      %parallel_loop3A_384 = arith.constant 0 : i32
      %parallel_loop3A_385 = arith.constant 512 : i32
      %parallel_loop3A_386 = arith.constant 1 : i32
      scf.for %parallel_loop3A_396 = %parallel_loop3A_384 to %parallel_loop3A_385 step %parallel_loop3A_386  : i32 {
        %parallel_loop3A_397 = arith.constant 64 : i32
        %parallel_loop3A_398 = arith.divsi %parallel_loop3A_396, %parallel_loop3A_397 : i32
        %parallel_loop3A_399 = arith.constant 0 : i32
        %parallel_loop3A_400 = arith.cmpi sgt, %parallel_loop3A_396, %parallel_loop3A_399 : i32
        %parallel_loop3A_401 = arith.extui %parallel_loop3A_400 : i1 to i32
        %parallel_loop3A_402 = arith.constant 0 : i32
        %parallel_loop3A_403 = arith.cmpi slt, %parallel_loop3A_396, %parallel_loop3A_402 : i32
        %parallel_loop3A_404 = arith.extui %parallel_loop3A_403 : i1 to i32
        %parallel_loop3A_405 = arith.subi %parallel_loop3A_401, %parallel_loop3A_404 : i32
        %parallel_loop3A_406 = arith.constant 0 : i32
        %parallel_loop3A_407 = arith.cmpi sgt, %parallel_loop3A_397, %parallel_loop3A_406 : i32
        %parallel_loop3A_408 = arith.extui %parallel_loop3A_407 : i1 to i32
        %parallel_loop3A_409 = arith.constant 0 : i32
        %parallel_loop3A_410 = arith.cmpi slt, %parallel_loop3A_397, %parallel_loop3A_409 : i32
        %parallel_loop3A_411 = arith.extui %parallel_loop3A_410 : i1 to i32
        %parallel_loop3A_412 = arith.subi %parallel_loop3A_408, %parallel_loop3A_411 : i32
        %parallel_loop3A_413 = arith.cmpi ne, %parallel_loop3A_405, %parallel_loop3A_412 : i32
        %parallel_loop3A_414 = arith.remsi %parallel_loop3A_396, %parallel_loop3A_397 : i32
        %parallel_loop3A_415 = arith.constant 0 : i32
        %parallel_loop3A_416 = arith.cmpi ne, %parallel_loop3A_414, %parallel_loop3A_415 : i32
        %parallel_loop3A_417 = arith.andi %parallel_loop3A_413, %parallel_loop3A_416 : i1
        %parallel_loop3A_418 = arith.constant 1 : i32
        %parallel_loop3A_419 = arith.subi %parallel_loop3A_398, %parallel_loop3A_418 : i32
        %parallel_loop3A_420 = arith.select %parallel_loop3A_417, %parallel_loop3A_419, %parallel_loop3A_398 : i32
        %parallel_loop3A_421 = arith.constant 64 : i32
        %parallel_loop3A_422 = arith.constant 0 : i32
        %parallel_loop3A_423 = arith.cmpi eq, %parallel_loop3A_421, %parallel_loop3A_422 : i32
        %parallel_loop3A_424 = arith.constant 1 : i32
        %parallel_loop3A_425 = arith.select %parallel_loop3A_423, %parallel_loop3A_424, %parallel_loop3A_421 : i32
        %parallel_loop3A_426 = arith.remsi %parallel_loop3A_396, %parallel_loop3A_425 : i32
        %parallel_loop3A_427 = arith.constant 0 : i32
        %parallel_loop3A_428 = arith.cmpi ne, %parallel_loop3A_426, %parallel_loop3A_427 : i32
        %parallel_loop3A_429 = arith.constant 0 : i32
        %parallel_loop3A_430 = arith.cmpi slt, %parallel_loop3A_426, %parallel_loop3A_429 : i32
        %parallel_loop3A_431 = arith.constant 0 : i32
        %parallel_loop3A_432 = arith.cmpi slt, %parallel_loop3A_425, %parallel_loop3A_431 : i32
        %parallel_loop3A_433 = arith.xori %parallel_loop3A_430, %parallel_loop3A_432 : i1
        %parallel_loop3A_434 = arith.andi %parallel_loop3A_433, %parallel_loop3A_428 : i1
        %parallel_loop3A_435 = arith.addi %parallel_loop3A_426, %parallel_loop3A_425 : i32
        %parallel_loop3A_436 = arith.select %parallel_loop3A_434, %parallel_loop3A_435, %parallel_loop3A_426 : i32
        %parallel_loop3A_437 = arith.constant 16 : i32
        %parallel_loop3A_438 = arith.muli %parallel_loop3A_436, %parallel_loop3A_437 : i32
        %parallel_loop3A_439 = arith.index_cast %parallel_loop3A_420 : i32 to index
        %parallel_loop3A_440 = arith.index_cast %parallel_loop3A_438 : i32 to index
        %parallel_loop3A_441 = tpu.vector_load %arg8[%parallel_loop3A_439, %parallel_loop3A_440] {strides = array<i32>} : memref<8x1024xf32, #tpu.memory_space<vmem>>, vector<1x16xf32>,
        %parallel_loop3A_442 = vector.shape_cast %parallel_loop3A_441 : vector<1x16xf32> to vector<16xf32>
        %parallel_loop3A_443 = arith.index_cast %parallel_loop3A_420 : i32 to index
        %parallel_loop3A_444 = arith.index_cast %parallel_loop3A_438 : i32 to index
        %parallel_loop3A_445 = tpu.vector_load %arg16[%parallel_loop3A_443, %parallel_loop3A_444] {strides = array<i32>} : memref<8x1024xf32, #tpu.memory_space<vmem>>, vector<1x16xf32>,
        %parallel_loop3A_446 = vector.shape_cast %parallel_loop3A_445 : vector<1x16xf32> to vector<16xf32>
        %parallel_loop3A_447 = vector.shape_cast %parallel_loop3A_442 : vector<16xf32> to vector<1x16xf32>
        tpu.vector_store %arg16[%parallel_loop3A_443, %parallel_loop3A_444], %parallel_loop3A_447 {add = true, strides = array<i32>} : memref<8x1024xf32, #tpu.memory_space<vmem>>, vector<1x16xf32>,
      } {sc.loop_unroll_factor = 8 : i64, sc.parallel_access}
      %add3A_387 = arith.constant 12288 : i32
      %add3A_388 = arith.addi %add3A_387, %mul3A_2 : i32
      %mul3A_389 = arith.constant 8 : i32
      %mul3A_390 = arith.muli %add3A_273, %mul3A_389 : i32
      %add3A_391 = arith.addi %add3A_388, %mul3A_390 : i32
      %dma_start3A_392 = arith.constant 0 : i32
      %dma_start3A_393 = tpu.memref_slice %arg5[%add3A_391, %dma_start3A_392] : memref<16384x1024xf32, #tpu.memory_space<hbm>> -> memref<8x1024xf32, #tpu.memory_space<hbm>>
      %dma_start3A_394 = arith.constant 0 : i32
      %dma_start3A_395 = tpu.memref_slice %arg5[%add3A_391, %dma_start3A_394] : memref<16384x1024xf32, #tpu.memory_space<hbm>> -> memref<8x1024xf32, #tpu.memory_space<hbm>>
      tpu.enqueue_dma source(%arg16 : memref<8x1024xf32, #tpu.memory_space<vmem>>) target(%dma_start3A_395 : memref<8x1024xf32, #tpu.memory_space<hbm>>) target_semaphore(%arg19 : memref<!tpu.dma_semaphore, #tpu.memory_space<semaphore_mem>>)
    }
    %scan3A_101 = arith.constant 8 : i32
    %dma_wait3A_102 = arith.constant 0 : i32
    %dma_wait3A_103 = arith.constant 0 : i32
    %dma_wait3A_104 = tpu.memref_slice %arg5[%dma_wait3A_102, %dma_wait3A_103] : memref<16384x1024xf32, #tpu.memory_space<hbm>> -> memref<8x1024xf32, #tpu.memory_space<hbm>>
    %dma_wait3A_105 = arith.constant 0 : i32
    %dma_wait3A_106 = arith.constant 0 : i32
    %dma_wait3A_107 = tpu.memref_slice %arg5[%dma_wait3A_105, %dma_wait3A_106] : memref<16384x1024xf32, #tpu.memory_space<hbm>> -> memref<8x1024xf32, #tpu.memory_space<hbm>>
    tpu.wait_dma2 semaphore(%arg19 : memref<!tpu.dma_semaphore, #tpu.memory_space<semaphore_mem>>) src(%arg13 : memref<8x1024xf32, #tpu.memory_space<vmem>>) dst(%dma_wait3A_107 : memref<8x1024xf32, #tpu.memory_space<hbm>>)
    %dma_wait3A_108 = arith.constant 0 : i32
    %dma_wait3A_109 = arith.constant 0 : i32
    %dma_wait3A_110 = tpu.memref_slice %arg5[%dma_wait3A_108, %dma_wait3A_109] : memref<16384x1024xf32, #tpu.memory_space<hbm>> -> memref<8x1024xf32, #tpu.memory_space<hbm>>
    %dma_wait3A_111 = arith.constant 0 : i32
    %dma_wait3A_112 = arith.constant 0 : i32
    %dma_wait3A_113 = tpu.memref_slice %arg5[%dma_wait3A_111, %dma_wait3A_112] : memref<16384x1024xf32, #tpu.memory_space<hbm>> -> memref<8x1024xf32, #tpu.memory_space<hbm>>
    tpu.wait_dma2 semaphore(%arg19 : memref<!tpu.dma_semaphore, #tpu.memory_space<semaphore_mem>>) src(%arg14 : memref<8x1024xf32, #tpu.memory_space<vmem>>) dst(%dma_wait3A_113 : memref<8x1024xf32, #tpu.memory_space<hbm>>)
    %dma_wait3A_114 = arith.constant 0 : i32
    %dma_wait3A_115 = arith.constant 0 : i32
    %dma_wait3A_116 = tpu.memref_slice %arg5[%dma_wait3A_114, %dma_wait3A_115] : memref<16384x1024xf32, #tpu.memory_space<hbm>> -> memref<8x1024xf32, #tpu.memory_space<hbm>>
    %dma_wait3A_117 = arith.constant 0 : i32
    %dma_wait3A_118 = arith.constant 0 : i32
    %dma_wait3A_119 = tpu.memref_slice %arg5[%dma_wait3A_117, %dma_wait3A_118] : memref<16384x1024xf32, #tpu.memory_space<hbm>> -> memref<8x1024xf32, #tpu.memory_space<hbm>>
    tpu.wait_dma2 semaphore(%arg19 : memref<!tpu.dma_semaphore, #tpu.memory_space<semaphore_mem>>) src(%arg15 : memref<8x1024xf32, #tpu.memory_space<vmem>>) dst(%dma_wait3A_119 : memref<8x1024xf32, #tpu.memory_space<hbm>>)
    %dma_wait3A_120 = arith.constant 0 : i32
    %dma_wait3A_121 = arith.constant 0 : i32
    %dma_wait3A_122 = tpu.memref_slice %arg5[%dma_wait3A_120, %dma_wait3A_121] : memref<16384x1024xf32, #tpu.memory_space<hbm>> -> memref<8x1024xf32, #tpu.memory_space<hbm>>
    %dma_wait3A_123 = arith.constant 0 : i32
    %dma_wait3A_124 = arith.constant 0 : i32
    %dma_wait3A_125 = tpu.memref_slice %arg5[%dma_wait3A_123, %dma_wait3A_124] : memref<16384x1024xf32, #tpu.memory_space<hbm>> -> memref<8x1024xf32, #tpu.memory_space<hbm>>
    tpu.wait_dma2 semaphore(%arg19 : memref<!tpu.dma_semaphore, #tpu.memory_space<semaphore_mem>>) src(%arg16 : memref<8x1024xf32, #tpu.memory_space<vmem>>) dst(%dma_wait3A_125 : memref<8x1024xf32, #tpu.memory_space<hbm>>)
    return
  }
}

</mosaic_0001>

<sc_bundles>
// kernel: kernel.3.cloned.1.call-start
scs
__scs_entry_jumppad:
0x0: {  	(pc) =	sbr.rel $0x88, $3  }
0x1: {  	(tag) =	ssettag $0x0;
	lr =	simm.s32 $0x1  }
0x2: {  	[smem:$0x3F9F] =	sst lr;
	_ =	strace $0xD0000000  }
0x3: {  	_ = 	snop  }
0x4: {  	_ = 	snop  }
0x5: {  	_ = 	snop  }
0x6: {  	_ = 	snop  }
0x7: {  	_ = 	snop  }
__scs_overlays_trampoline_lowered:
0x8: {  	[smem:$0x3FAE] =	sst s0  }
0x9: {  	[smem:$0x3FAF] =	sst s1  }
0xa: {  	[smem:$0x3FB0] =	sst s2  }
0xb: {  	[smem:$0x3FB1] =	sst s3  }
0xc: {  	[smem:$0x3FB2] =	sst s4  }
0xd: {  	[smem:$0x3FB3] =	sst s5  }
0xe: {  	[smem:$0x3FB4] =	sst s6  }
0xf: {  	[smem:$0x3FB5] =	sst s7  }
0x10: {  	[smem:$0x3FB6] =	sst s8  }
0x11: {  	[smem:$0x3FB7] =	sst s9;
	s0 =	simm.s32 @!p0 $0x0  }
0x12: {  	s1 =	sld [smem:$0x3F9D];
	s0 =	simm.s32 @p0 $0x1  }
0x13: {  	[smem:$0x3FB8] =	sst s0;
	s0 =	simm.s32 @!p1 $0x0  }
0x14: {  	s2 =	sld [smem:$0x3F9C];
	s0 =	simm.s32 @p1 $0x1  }
0x15: {  	[smem:$0x3FB9] =	sst s0;
	s0 =	simm.s32 @!p2 $0x0  }
0x16: {  	s3 =	sld [smem:$0x3FDB];
	s0 =	simm.s32 @p2 $0x1  }
0x17: {  	s4 =	simm.s32 $0x1BF5;
	[smem:$0x3FBB] =	sst s0  }
0x18: {  	s0 =	sld [smem:$0x3F9E];
	_ =	swait.ge [sflag:s4], $0x0  }
0x19: {  	s7 =	sld [smem:$0x3F9F]  }
0x1a: {  	s8 =	sadd.s32 $0xFFFFE003, lr  }
0x1b: {  	s9 =	sadd.s32 $0xFFFFFEF7, lr;
	s5 =	simm.s32 $0xFFFFFFFF;
	p2 =	slt.u32 s8, $0xFFFFF086  }
0x1c: {  	p1 =	slt.u32 s9, $0xF7A;
	s5 =	simm.s32 @!p2 $0x0  }
0x1d: {  	s5 =	simm.s32 @p1 $0x1;
	p0 =	seq.s32 s7, s2  }
0x1e: {  	s7 =	smul.u32 @!p0 $0xF7A, s2;
	p2 =	seq.s32 @!p0 s5, $0x0  }
0x1f: {  	s9 =	smul.u32 $0xF7A, s1;
	s8 =	simm.s32 @!p0 $0x1BF5;
	p2 =	por !p2, p0  }
0x20: {  	[sflag:s8] =	ssyncset.s32 @!p0 $0xFFFFF086;
	s6 =	sadd.s32 @!p0 s3, s7;
	s7 =	simm.s32 @!p0 $0x108  }
0x21: {  	s3 =	sadd.s32 s3, s9;
	s6 =	sadd.s32 @!p0 $0x88, s6;
	s7 =	simm.s32 @p2 $0x1082  }
0x22: {  	[simem:s7], [sflag:s8] =	dma.local @!p0 [hbm:s6], $0xF7A  }
0x23: {  	s9 =	sor.u32 $0xD0000000, s2;
	s6 =	simm.s32 $0x108;
	_ =	swait.ge @!p0 [sflag:s8], $0x0  }
0x24: {  	s3 =	sadd.s32 $0x88, s3;
	s6 =	simm.s32 @!p1 $0x1082;
	[sflag:s4] =	ssyncset.s32 $0xFFFFF086  }
0x25: {  	[simem:s6], [sflag:s4] =	dma.local [hbm:s3], $0xF7A  }
0x26: {  	[smem:$0x3F9F] =	sst s1;
	(tag) =	ssettag s2;
	_ =	strace s9  }
0x27: {  	s1 =	sld [smem:$0x3FAF]  }
0x28: {  	s2 =	sld [smem:$0x3FB0]  }
0x29: {  	s4 =	sld [smem:$0x3FB2]  }
0x2a: {  	p0 =	seq.s32 s5, $0x0;
	s5 =	sld [smem:$0x3FB3]  }
0x2b: {  	s6 =	sld [smem:$0x3FB4]  }
0x2c: {  	s7 =	sld [smem:$0x3FB5]  }
0x2d: {  	s3 =	simm.s32 $0x108;
	s8 =	sld [smem:$0x3FB6]  }
0x2e: {  	s3 =	simm.s32 @!p0 $0x1082;
	s9 =	sld [smem:$0x3FB7]  }
0x2f: {  	lr =	sadd.s32 s0, s3;
	s0 =	sld [smem:$0x3FAE]  }
0x30: {  	s3 =	sld [smem:$0x3FB1]  }
0x31: {  	[smem:$0x3FBA] =	sst s10  }
0x32: {  	s10 =	sld [smem:$0x3FB8];
	_ =	sdelay $0x3  }
0x33: {  	p0 =	seq.s32 s10, $0x1;
	s10 =	sld [smem:$0x3FBA];
	_ =	sdelay $0x3  }
0x34: {  	[smem:$0x3FBA] =	sst s10  }
0x35: {  	s10 =	sld [smem:$0x3FB9];
	_ =	sdelay $0x3  }
0x36: {  	p1 =	seq.s32 s10, $0x1;
	s10 =	sld [smem:$0x3FBA];
	_ =	sdelay $0x3  }
0x37: {  	[smem:$0x3FBA] =	sst s10  }
0x38: {  	s10 =	sld [smem:$0x3FBB]  }
0x39: {  	_ = 	snop;
	(pc) =	sbr.ind lr, $3  }
0x3a: {  	_ = 	snop  }
0x3b: {  	_ = 	snop  }
0x3c: {  	p2 =	seq.s32 s10, $0x1;
	s10 =	sld [smem:$0x3FBA]  }
0x3d: {  	_ =	shalt  }
0x3e: {  	_ =	shalt  }
0x3f: {  	_ =	shalt  }
0x40: {  	_ =	shalt  }
0x41: {  	_ =	shalt  }
0x42: {  	_ =	shalt  }
0x43: {  	_ =	shalt  }
0x44: {  	_ =	shalt  }
0x45: {  	_ =	shalt  }
0x46: {  	_ =	shalt  }
0x47: {  	_ =	shalt  }
0x48: {  	_ =	shalt  }
0x49: {  	_ =	shalt  }
0x4a: {  	_ =	shalt  }
0x4b: {  	_ =	shalt  }
0x4c: {  	_ =	shalt  }
0x4d: {  	_ =	shalt  }
0x4e: {  	_ =	shalt  }
0x4f: {  	_ =	shalt  }
0x50: {  	_ =	shalt  }
0x51: {  	_ =	shalt  }
0x52: {  	_ =	shalt  }
0x53: {  	_ =	shalt  }
0x54: {  	_ =	shalt  }
0x55: {  	_ =	shalt  }
0x56: {  	_ =	shalt  }
0x57: {  	_ =	shalt  }
0x58: {  	_ =	shalt  }
0x59: {  	_ =	shalt  }
0x5a: {  	_ =	shalt  }
0x5b: {  	_ =	shalt  }
0x5c: {  	_ =	shalt  }
0x5d: {  	_ =	shalt  }
0x5e: {  	_ =	shalt  }
0x5f: {  	_ =	shalt  }
0x60: {  	_ =	shalt  }
0x61: {  	_ =	shalt  }
0x62: {  	_ =	shalt  }
0x63: {  	_ =	shalt  }
0x64: {  	_ =	shalt  }
0x65: {  	_ =	shalt  }
0x66: {  	_ =	shalt  }
0x67: {  	_ =	shalt  }
0x68: {  	_ =	shalt  }
0x69: {  	_ =	shalt  }
0x6a: {  	_ =	shalt  }
0x6b: {  	_ =	shalt  }
0x6c: {  	_ =	shalt  }
0x6d: {  	_ =	shalt  }
0x6e: {  	_ =	shalt  }
0x6f: {  	_ =	shalt  }
0x70: {  	_ =	shalt  }
0x71: {  	_ =	shalt  }
0x72: {  	_ =	shalt  }
0x73: {  	_ =	shalt  }
0x74: {  	_ =	shalt  }
0x75: {  	_ =	shalt  }
0x76: {  	_ =	shalt  }
0x77: {  	_ =	shalt  }
0x78: {  	_ =	shalt  }
0x79: {  	_ =	shalt  }
0x7a: {  	_ =	shalt  }
0x7b: {  	_ =	shalt  }
0x7c: {  	_ =	shalt  }
0x7d: {  	_ =	shalt  }
0x7e: {  	_ =	shalt  }
0x7f: {  	_ =	shalt  }
0x80: {  	_ =	shalt  }
0x81: {  	_ =	shalt  }
0x82: {  	_ =	shalt  }
0x83: {  	_ =	shalt  }
0x84: {  	_ =	shalt  }
0x85: {  	_ =	shalt  }
0x86: {  	_ =	shalt  }
0x87: {  	_ =	shalt  }
.Lfunc_end0:
.L_simem_size_0:
called_computation_lowered:
.L_overlay_start_0:
0x88: {  	s2 =	sld [smem:$0x3FD9]  }
0x89: {  	s3 =	sld [smem:$0x3FFE];
	_ =	sdelay $0x1  }
0x8a: {  	s1 =	srdreg.scid  }
0x8b: {  	s0 =	sand.u32 $0x1, s1  }
0x8c: {  	s17 =	sshll.u32 s0, $0xA;
	s2 =	sadd.s32 s3, s2  }
0x8d: {  	s2 =	sadd.s32 s2, s17  }
0x8e: {  	[smem:$0x3FC6] =	sst s2  }
0x8f: {  	_ = 	snop  }
0x90: {  	s2 =	sld [smem:$0x3FC9]  }
0x91: {  	s18 =	sld [smem:$0x3FC8]  }
0x92: {  	s4 =	sld [smem:$0x3FD0];
	(tm) =	ssettm $0x1  }
0x93: {  	s5 =	sld [smem:$0x3FFB];
	_ =	sdelay $0x3  }
0x94: {  	_ =	strace s5  }
0x95: {  	s5 =	sld [smem:$0x3FFC];
	_ =	sdelay $0x3  }
0x96: {  	_ =	strace s5  }
0x97: {  	s5 =	sld [smem:$0x3FFD];
	_ =	sdelay $0x3  }
0x98: {  	_ =	strace s5  }
0x99: {  	_ =	strace $0x8FFFFFFF  }
0x9a: {  	s19 =	sld [smem:$0x3FDB];
	_ =	sdelay $0x1  }
0x9b: {  	s6 =	simm.s32 $_scs_section_size  }
0x9c: {  	s7 =	simm.s32 $_size__tile_overlayer_lowered;
	s8 =	simm.s32 $_tile_overlayer_lowered  }
0x9d: {  	s22 =	simm.s32 $0x1BFF;
	s21 =	sshll.u32 s8, $0x1;
	s5 =	sadd.s32 s6, s19  }
0x9e: {  	s9 =	simm.s32 $0x0;
	s20 =	sshll.u32 s7, $0x1;
	s7 =	sadd.s32 s21, s5  }
0x9f: {  	[timem:s9], [sflag:s22] =	dma.local [hbm:s7], s20  }
0xa0: {  	_ =	swait.ge [sflag:s22], s20  }
0xa1: {  	s6 =	ssub.s32 $0x0, s20;
	[sflag:s22] =	ssyncset.done $0x0  }
0xa2: {  	[sflag:s22] =	ssyncadd.s32 s6;
	_ =	sdelay $0x1  }
0xa3: {  	s23 =	simm.s32 $0x1B8B  }
0xa4: {  	_ =	swait.ge [sflag:s23], $0x1  }
0xa5: {  	[sflag:s23] =	ssyncset.done $0x0  }
0xa6: {  	s25 =	simm.s32 $0x1B8E;
	s24 =	sld [smem:$0x3FFE];
	[sflag:s23] =	ssyncadd.s32 $0xFFFFFFFF  }
0xa7: {  	s26 =	simm.s32 $execute0_lowered;
	[smem:$0x3FD2] =	sst s25  }
0xa8: {  	s7 =	sshll.u32 s26, $0x1;
	_ =	strace $0x80000046;
	[dreg:$0x1] =	wrdreg $0xFFFFFFFF  }
0xa9: {  	s28 =	simm.s32 $_size_execute0_lowered;
	s5 =	sadd.s32 s5, s7;
	[dreg:$0x0] =	wrdreg $0x0  }
0xaa: {  	s7 =	sshll.u32 s28, $0x1;
	[dreg:$0x2] =	wrdreg s5  }
0xab: {  	[dreg:$0x3] =	wrdreg s7  }
0xac: {  	[dreg:$0x4] =	wrdreg $0xC0  }
0xad: {  	_ =	task [dreg:s9], $0x5FFFF  }
0xae: {  	[dreg:$0x1] =	wrdreg $0xFFFFFFFF  }
0xaf: {  	[dreg:$0x0] =	wrdreg $0x60  }
0xb0: {  	[dreg:$0x2] =	wrdreg s2  }
0xb1: {  	[dreg:$0x3] =	wrdreg s18  }
0xb2: {  	[dreg:$0x4] =	wrdreg s24  }
0xb3: {  	[dreg:$0x5] =	wrdreg s4  }
0xb4: {  	[dreg:$0x6] =	wrdreg $0x9  }
0xb5: {  	_ =	task.clear_ibuf [dreg:s9], $0x7FFFF;
	_ =	strace $0x90000046  }
0xb6: {  	s29 =	simm.s32 $0x9;
	_ =	strace $0x80000048  }
0xb7: {  	_ =	swait.ge [sflag:s29], $0x1  }
0xb8: {  	[sflag:s29] =	ssyncadd.s32 $0xFFFFFFFF  }
0xb9: {  	_ =	strace $0x90000048  }
0xba: {  	_ =	sfence  }
0xbb: {  	s30 =	sld [smem:$0x0];
	_ =	sdelay $0x2  }
0xbc: {  	s31 =	sshll.u32 s1, $0xD;
	s1 =	sshrl.u32 s1, $0x2  }
0xbd: {  	s3 =	sand.u32 $0x4000, s31;
	s1 =	sadd.s32 s1, s30  }
0xbe: {  	s0 =	sor.u32 s3, s0;
	s1 =	sshll.u32 s1, $0x11  }
0xbf: {  	s0 =	sor.u32 s1, s0  }
0xc0: {  	s0 =	sadd.s32 $0x8F2B, s0  }
0xc1: {  	[sflag:s0] =	ssyncadd.remote.s32 $0x1  }
0xc2: {  	_ =	sfence.sel $0xFFFF  }
0xc3: {  	[dreg:$0x0] =	wrdreg $0xFFFFFFFF;
	(pc) =	sbr.abs _section_cstart, $3  }
0xc4: {  	[dreg:$0x1] =	wrdreg $0xFFFFFFFF  }
0xc5: {  	_ =	task.clear_ibuf [dreg:s9], $0x2FFFF;
	_ =	strace $0x9FFFFFFF  }
0xc6: {  	(tm) =	ssettm $0x7FFFFFFF  }
0xc7: {  	_ =	shalt  }
tec
execute0_lowered:
.L_overlay_start_1:
0x0: {  	(tag) =	ssettag $0x1  }
0x1: {  	s0 =	rddreg [dreg:$0x0]  }
0x2: {  	s1 =	rddreg [dreg:$0x1]  }
0x3: {  	s2 =	rddreg [dreg:$0x2]  }
0x4: {  	s3 =	rddreg [dreg:$0x3];
	s4 =	srdreg.scid  }
0x5: {  	s5 =	stileid.u32;
	s30 =	simm.s32 $0xC200;
	s20 =	simm.s32 $0x1  }
0x6: {  	s10 =	simm.s32 $0x10200;
	s31 =	simm.s32 $0x12200;
	s21 =	simm.s32 $0x13A00  }
0x7: {  	s6 =	sand.u32 $0x1, s4;
	s4 =	simm.s32 $0x0;
	s5 =	sshll.u32 s5, $0x8  }
0x8: {  	s12 =	sadd.s32 $0x100, s1;
	s13 =	sadd.s32 $0x200, s1;
	s14 =	sadd.s32 $0x300, s1  }
0x9: {  	s7 =	sshll.u32 s6, $0x7;
	[smem:$0x7FF] =	sst s4;
	s22 =	ssub.s32 $0x2, s6  }
0xa: {  	s6 =	sadd.s32 $0x400, s2;
	s5 =	sor.u32 s7, s5;
	s23 =	sshrl.u32 s22, $0x1  }
0xb: {  	_ =	strace $0x80000047;
	s8 =	sshrl.u32 s5, $0x1;
	s24 =	ssub.s32 s22, s23  }
0xc: {  	s26 =	sshll.u32 s5, $0x7;
	s15 =	sor.u32 $0x1000, s5;
	s8 =	sadd.s32 s0, s8  }
0xd: {  	s16 =	sor.u32 $0x2000, s5;
	s2 =	sadd.s32 s6, s26;
	[dreg:$0x5] =	wrdreg s8  }
0xe: {  	s17 =	sor.u32 $0x3000, s5;
	s0 =	smax.u32 s24, $0x1;
	[dreg:$0x9] =	wrdreg s2  }
0xf: {  	s22 =	simm.s32 $0x3;
	s25 =	sadd.s32 $0x10, s8;
	[dreg:$0xa] =	wrdreg s0  }
0x10: {  	v0 =	vlaneseq.u32;
	s23 =	simm.s32 $0xA200;
	s28 =	sadd.s32 $0x20, s8;
	[dreg:$0x6] =	wrdreg s25  }
0x11: {  	v1 =	vshrl.u32 v0, $0x3;
	s26 =	simm.s32 $0xE200;
	s29 =	sadd.s32 $0x30, s8;
	[dreg:$0x7] =	wrdreg s28  }
0x12: {  	vm0 =	vmmov $0xffff;
	v0 =	vand.u32 $0x7, v0;
	v1 =	vmul.u32 $0x8, v1;
	s2 =	simm.s32 $0x0;
	[dreg:$0x8] =	wrdreg s29;
	s25 =	simm.s32 $0x2  }
.LBB2_1:
0x13: {  	[dreg:$0xb] =	wrdreg s2  }
0x14: {  	s0 =	rddreg [dreg:$0x5]  }
0x15: {  	[tilespmem:s4], [sflag:$0x3] =	stream.linear.gather [hbm4b:s0+s4], $0x80, $0x38;
	[tilespmem:$0x14200] =	vst v63  }
0x16: {  	s9 =	rddreg [dreg:$0x6];
	s11 =	simm.s32 $0x80  }
0x17: {  	[tilespmem:s11], [sflag:$0x3] =	stream.linear.gather [hbm4b:s9+s4], $0x80, $0x38;
	[tilespmem:$0x14200] =	vst v63  }
0x18: {  	s18 =	rddreg [dreg:$0x7];
	s19 =	simm.s32 $0x100  }
0x19: {  	[tilespmem:s19], [sflag:$0x3] =	stream.linear.gather [hbm4b:s18+s4], $0x80, $0x38;
	[tilespmem:$0x14200] =	vst v63  }
0x1a: {  	s24 =	rddreg [dreg:$0x8];
	s29 =	simm.s32 $0x180  }
0x1b: {  	[tilespmem:s29], [sflag:$0x3] =	stream.linear.gather [hbm4b:s24+s4], $0x80, $0x38;
	[tilespmem:$0x14200] =	vst v63  }
0x1c: {  	_ =	swait.ge [sflag:s22], $0x80  }
0x1d: {  	[sflag:s22] =	ssyncset.done $0x0  }
0x1e: {  	[sflag:s22] =	ssyncadd.s32 $0xFFFFFF80  }
0x1f: {  	_ =	swait.ge [sflag:s22], $0x80  }
0x20: {  	[sflag:s22] =	ssyncset.done $0x0  }
0x21: {  	[sflag:s22] =	ssyncadd.s32 $0xFFFFFF80  }
0x22: {  	_ =	swait.ge [sflag:s22], $0x80  }
0x23: {  	[sflag:s22] =	ssyncset.done $0x0  }
0x24: {  	[sflag:s22] =	ssyncadd.s32 $0xFFFFFF80  }
0x25: {  	_ =	swait.ge [sflag:s22], $0x80  }
0x26: {  	[sflag:s22] =	ssyncset.done $0x0  }
0x27: {  	s8 =	simm.s32 $0x200;
	s7 =	rddreg [dreg:$0x9];
	[sflag:s22] =	ssyncadd.s32 $0xFFFFFF80  }
0x28: {  	[tilespmem:s8], [sflag:$0x1] =	stream.linear.gather [hbm4b:s7+s4], $0x2000, $0x38;
	[tilespmem:$0x14200] =	vst v63  }
0x29: {  	v2 =	vld.msk [tilespmem:$0x0], $0xff;
	_ =	sdelay $0x4  }
0x2a: {  	v3 =	vshll.u32 v2, $0x3  }
0x2b: {  	v2 =	vand.u32 $0x7, v2;
	v3 =	vand.u32 $0xFFFFFFC0, v3  }
0x2c: {  	v2 =	vor.u32 v2, v3  }
0x2d: {  	v2 =	vperm.xlane v2, v0;
	_ =	sdelay $0x1  }
0x2e: {  	v2 =	vadd.s32 v1, v2;
	_ =	sdelay $0x3  }
0x2f: {  	s9 =	simm.s32 $0x4200  }
0x30: {  	[tilespmem:s9], [sflag:$0x2] =	stream.indirect_vreg.gather [hbm4b:s1+s4], $0x80, v2, vm0, $0xb8;
	[tilespmem:$0x14200] =	vst v63  }
0x31: {  	s11 =	simm.s32 $0x4A00  }
0x32: {  	[tilespmem:s11], [sflag:$0x2] =	stream.indirect_vreg.gather [hbm4b:s12+s4], $0x80, v2, vm0, $0xb8;
	[tilespmem:$0x14200] =	vst v63  }
0x33: {  	s18 =	simm.s32 $0x5200  }
0x34: {  	[tilespmem:s18], [sflag:$0x2] =	stream.indirect_vreg.gather [hbm4b:s13+s4], $0x80, v2, vm0, $0xb8;
	[tilespmem:$0x14200] =	vst v63  }
0x35: {  	s19 =	simm.s32 $0x5A00  }
0x36: {  	[tilespmem:s19], [sflag:$0x2] =	stream.indirect_vreg.gather [hbm4b:s14+s4], $0x80, v2, vm0, $0xb8;
	[tilespmem:$0x14200] =	vst v63  }
0x37: {  	v2 =	vld.msk [tilespmem:$0x80], $0xff;
	_ =	sdelay $0x4  }
0x38: {  	v3 =	vshll.u32 v2, $0x3  }
0x39: {  	v2 =	vand.u32 $0x7, v2;
	v3 =	vand.u32 $0xFFFFFFC0, v3  }
0x3a: {  	v2 =	vor.u32 v2, v3  }
0x3b: {  	v2 =	vperm.xlane v2, v0;
	_ =	sdelay $0x1  }
0x3c: {  	v2 =	vadd.s32 v1, v2;
	_ =	sdelay $0x3  }
0x3d: {  	s24 =	simm.s32 $0x6200  }
0x3e: {  	[tilespmem:s24], [sflag:$0x2] =	stream.indirect_vreg.gather [hbm4b:s1+s4], $0x80, v2, vm0, $0xb8;
	[tilespmem:$0x14200] =	vst v63  }
0x3f: {  	s29 =	simm.s32 $0x6A00  }
0x40: {  	[tilespmem:s29], [sflag:$0x2] =	stream.indirect_vreg.gather [hbm4b:s12+s4], $0x80, v2, vm0, $0xb8;
	[tilespmem:$0x14200] =	vst v63  }
0x41: {  	s2 =	simm.s32 $0x7200  }
0x42: {  	[tilespmem:s2], [sflag:$0x2] =	stream.indirect_vreg.gather [hbm4b:s13+s4], $0x80, v2, vm0, $0xb8;
	[tilespmem:$0x14200] =	vst v63  }
0x43: {  	s7 =	simm.s32 $0x7A00  }
0x44: {  	[tilespmem:s7], [sflag:$0x2] =	stream.indirect_vreg.gather [hbm4b:s14+s4], $0x80, v2, vm0, $0xb8;
	[tilespmem:$0x14200] =	vst v63  }
0x45: {  	v2 =	vld.msk [tilespmem:$0x100], $0xff;
	_ =	sdelay $0x4  }
0x46: {  	v3 =	vshll.u32 v2, $0x3  }
0x47: {  	v2 =	vand.u32 $0x7, v2;
	v3 =	vand.u32 $0xFFFFFFC0, v3  }
0x48: {  	v2 =	vor.u32 v2, v3  }
0x49: {  	v2 =	vperm.xlane v2, v0;
	_ =	sdelay $0x1  }
0x4a: {  	v2 =	vadd.s32 v1, v2;
	_ =	sdelay $0x3  }
0x4b: {  	s8 =	simm.s32 $0x8200  }
0x4c: {  	[tilespmem:s8], [sflag:$0x2] =	stream.indirect_vreg.gather [hbm4b:s1+s4], $0x80, v2, vm0, $0xb8;
	[tilespmem:$0x14200] =	vst v63  }
0x4d: {  	s9 =	simm.s32 $0x8A00  }
0x4e: {  	[tilespmem:s9], [sflag:$0x2] =	stream.indirect_vreg.gather [hbm4b:s12+s4], $0x80, v2, vm0, $0xb8;
	[tilespmem:$0x14200] =	vst v63  }
0x4f: {  	s11 =	simm.s32 $0x9200  }
0x50: {  	[tilespmem:s11], [sflag:$0x2] =	stream.indirect_vreg.gather [hbm4b:s13+s4], $0x80, v2, vm0, $0xb8;
	[tilespmem:$0x14200] =	vst v63  }
0x51: {  	s18 =	simm.s32 $0x9A00  }
0x52: {  	[tilespmem:s18], [sflag:$0x2] =	stream.indirect_vreg.gather [hbm4b:s14+s4], $0x80, v2, vm0, $0xb8;
	[tilespmem:$0x14200] =	vst v63  }
0x53: {  	v2 =	vld.msk [tilespmem:$0x180], $0xff;
	_ =	sdelay $0x4  }
0x54: {  	v3 =	vshll.u32 v2, $0x3  }
0x55: {  	v2 =	vand.u32 $0x7, v2;
	v3 =	vand.u32 $0xFFFFFFC0, v3  }
0x56: {  	v2 =	vor.u32 v2, v3  }
0x57: {  	v2 =	vperm.xlane v2, v0;
	_ =	sdelay $0x1  }
0x58: {  	v2 =	vadd.s32 v1, v2;
	_ =	sdelay $0x4  }
0x59: {  	[tilespmem:s23], [sflag:$0x2] =	stream.indirect_vreg.gather [hbm4b:s1+s4], $0x80, v2, vm0, $0xb8;
	[tilespmem:$0x14200] =	vst v63  }
0x5a: {  	s19 =	simm.s32 $0xAA00  }
0x5b: {  	[tilespmem:s19], [sflag:$0x2] =	stream.indirect_vreg.gather [hbm4b:s12+s4], $0x80, v2, vm0, $0xb8;
	[tilespmem:$0x14200] =	vst v63  }
0x5c: {  	s24 =	simm.s32 $0xB200  }
0x5d: {  	[tilespmem:s24], [sflag:$0x2] =	stream.indirect_vreg.gather [hbm4b:s13+s4], $0x80, v2, vm0, $0xb8;
	[tilespmem:$0x14200] =	vst v63  }
0x5e: {  	s28 =	simm.s32 $0x0;
	s29 =	simm.s32 $0xBA00  }
0x5f: {  	[tilespmem:s29], [sflag:$0x2] =	stream.indirect_vreg.gather [hbm4b:s14+s4], $0x80, v2, vm0, $0xb8;
	[tilespmem:$0x14200] =	vst v63  }
.LBB2_2:
0x60: {  	p0 =	seq.s32 s28, $0x0  }
0x61: {  	s7 =	simm.s32 @!p0 $0x3  }
0x62: {  	_ =	swait.ge @!p0 [sflag:s7], $0x2000  }
0x63: {  	s24 =	sshll.u32 s28, $0x4;
	[sflag:s7] =	ssyncset.done @!p0 $0x0  }
0x64: {  	s8 =	sor.u32 $0x8, s24;
	[sflag:s7] =	ssyncadd.s32 @!p0 $0xFFFFE000  }
0x65: {  	v2 =	vld.msk [tilespmem:s8+$0x0], $0xff;
	_ =	sdelay $0x4  }
0x66: {  	v3 =	vshll.u32 v2, $0x3  }
0x67: {  	v2 =	vand.u32 $0x7, v2;
	v3 =	vand.u32 $0xFFFFFFC0, v3  }
0x68: {  	v2 =	vor.u32 v2, v3  }
0x69: {  	v2 =	vperm.xlane v2, v0;
	_ =	sdelay $0x1  }
0x6a: {  	v2 =	vadd.s32 v1, v2;
	_ =	sdelay $0x3  }
0x6b: {  	s11 =	simm.s32 $0x0  }
0x6c: {  	[tilespmem:s30], [sflag:$0x2] =	stream.indirect_vreg.gather [hbm4b:s1+s11], $0x80, v2, vm0, $0xb8;
	[tilespmem:$0x14200] =	vst v63  }
0x6d: {  	s0 =	simm.s32 $0xCA00  }
0x6e: {  	[tilespmem:s0], [sflag:$0x2] =	stream.indirect_vreg.gather [hbm4b:s12+s11], $0x80, v2, vm0, $0xb8;
	[tilespmem:$0x14200] =	vst v63  }
0x6f: {  	s7 =	simm.s32 $0xD200  }
0x70: {  	[tilespmem:s7], [sflag:$0x2] =	stream.indirect_vreg.gather [hbm4b:s13+s11], $0x80, v2, vm0, $0xb8;
	[tilespmem:$0x14200] =	vst v63  }
0x71: {  	s9 =	simm.s32 $0xDA00  }
0x72: {  	[tilespmem:s9], [sflag:$0x2] =	stream.indirect_vreg.gather [hbm4b:s14+s11], $0x80, v2, vm0, $0xb8;
	[tilespmem:$0x14200] =	vst v63  }
0x73: {  	s18 =	sor.u32 s5, s8;
	_ =	swait.ge [sflag:s20], $0x2000  }
0x74: {  	s9 =	sshll.u32 s18, $0x7;
	[sflag:s20] =	ssyncset.done $0x0  }
0x75: {  	s19 =	simm.s32 $0x2200;
	s7 =	sadd.s32 s6, s9;
	[sflag:s20] =	ssyncadd.s32 $0xFFFFE000  }
0x76: {  	[tilespmem:s19], [sflag:$0x1] =	stream.linear.gather [hbm4b:s7+s11], $0x2000, $0x38;
	[tilespmem:$0x14200] =	vst v63  }
0x77: {  	s2 =	sand.u32 $0x1C00, s11;
	_ =	swait.ge [sflag:s25], $0x2000  }
0x78: {  	s18 =	sor.u32 s2, s11;
	[sflag:s25] =	ssyncset.done $0x0  }
0x79: {  	s29 =	sand.u32 $0x380, s11;
	s19 =	sor.u32 $0x70, s18;
	[sflag:s25] =	ssyncadd.s32 $0xFFFFE000  }
0x7a: {  	s18 =	sor.u32 s29, s2;
	v2 =	vld [tilespmem:s19+$0x200]  }
0x7b: {  	v5 =	vld [tilespmem:s18+$0x200]  }
0x7c: {  	v6 =	vld [tilespmem:s18+$0x210]  }
0x7d: {  	v7 =	vld [tilespmem:s18+$0x220]  }
0x7e: {  	v8 =	vld [tilespmem:s18+$0x230]  }
0x7f: {  	v4 =	vld [tilespmem:s18+$0x240]  }
0x80: {  	v3 =	vld [tilespmem:s18+$0x250]  }
0x81: {  	[tilespmem:s19+$0x4200] =	vst.add.f32.msk $0xffff, v2  }
0x82: {  	v2 =	vld [tilespmem:s18+$0x260]  }
0x83: {  	[tilespmem:s18+$0x4200] =	vst.add.f32.msk $0xffff, v5  }
0x84: {  	[tilespmem:s18+$0x4210] =	vst.add.f32.msk $0xffff, v6  }
0x85: {  	[tilespmem:s18+$0x4220] =	vst.add.f32.msk $0xffff, v7  }
0x86: {  	s7 =	simm.s32 $0x0;
	s29 =	simm.s32 $0x400;
	[tilespmem:s18+$0x4230] =	vst.add.f32.msk $0xffff, v8  }
.LBB2_3:
0x87: {  	s0 =	sand.u32 $0x1C00, s29;
	s7 =	sadd.s32 $0x8, s7;
	[tilespmem:s18+$0x4240] =	vst.add.f32.msk $0xffff, v4;
	s11 =	sadd.s32 $0x10, s11  }
0x88: {  	s2 =	sand.u32 $0x380, s11;
	s19 =	sor.u32 s0, s11;
	p1 =	slt.u32 s7, $0x1F8;
	[tilespmem:s18+$0x4250] =	vst.add.f32.msk $0xffff, v3  }
0x89: {  	s19 =	sor.u32 $0x70, s19;
	[tilespmem:s18+$0x4260] =	vst.add.f32.msk $0xffff, v2;
	s18 =	sor.u32 s2, s0  }
0x8a: {  	v2 =	vld [tilespmem:s19+$0x200]  }
0x8b: {  	v5 =	vld [tilespmem:s18+$0x200]  }
0x8c: {  	v6 =	vld [tilespmem:s18+$0x210]  }
0x8d: {  	v7 =	vld [tilespmem:s18+$0x220]  }
0x8e: {  	v8 =	vld [tilespmem:s18+$0x230]  }
0x8f: {  	[tilespmem:s19+$0x4200] =	vst.add.f32.msk $0xffff, v2  }
0x90: {  	v4 =	vld [tilespmem:s18+$0x240]  }
0x91: {  	v3 =	vld [tilespmem:s18+$0x250]  }
.Ltmp0:
0x92: {  	v2 =	vld [tilespmem:s18+$0x260];
	(pc) =	sbr.rel @p1 .LBB2_3-.Ltmp0, $4  }
0x93: {  	[tilespmem:s18+$0x4200] =	vst.add.f32.msk $0xffff, v5  }
0x94: {  	[tilespmem:s18+$0x4210] =	vst.add.f32.msk $0xffff, v6  }
0x95: {  	[tilespmem:s18+$0x4220] =	vst.add.f32.msk $0xffff, v7  }
0x96: {  	s29 =	sadd.s32 $0x400, s29;
	[tilespmem:s18+$0x4230] =	vst.add.f32.msk $0xffff, v8  }
0x97: {  	[tilespmem:s18+$0x4240] =	vst.add.f32.msk $0xffff, v4;
	s0 =	sadd.s32 s5, s24  }
0x98: {  	[tilespmem:s18+$0x4250] =	vst.add.f32.msk $0xffff, v3;
	s0 =	sshll.u32 s0, $0x7  }
0x99: {  	[tilespmem:s18+$0x4260] =	vst.add.f32.msk $0xffff, v2;
	s2 =	simm.s32 $0x4200;
	s0 =	sadd.s32 s3, s0  }
0x9a: {  	[hbm4b:s0+s4] =	stream.linear.scatter [tilespmem:s2], [sflag:$0x3], $0x2000, $0x38;
	[tilespmem:$0x14200] =	vst v63  }
0x9b: {  	s0 =	simm.s32 @!p0 $0x3  }
0x9c: {  	_ =	swait.ge @!p0 [sflag:s0], $0x2000  }
0x9d: {  	[sflag:s0] =	ssyncset.done @!p0 $0x0  }
0x9e: {  	[sflag:s0] =	ssyncadd.s32 @!p0 $0xFFFFE000  }
0x9f: {  	v2 =	vld.msk [tilespmem:s24+$0x88], $0xff;
	_ =	sdelay $0x4  }
0xa0: {  	v3 =	vshll.u32 v2, $0x3  }
0xa1: {  	v2 =	vand.u32 $0x7, v2;
	v3 =	vand.u32 $0xFFFFFFC0, v3  }
0xa2: {  	v2 =	vor.u32 v2, v3  }
0xa3: {  	v2 =	vperm.xlane v2, v0;
	_ =	sdelay $0x1  }
0xa4: {  	v2 =	vadd.s32 v1, v2;
	_ =	sdelay $0x3  }
0xa5: {  	s11 =	simm.s32 $0x0  }
0xa6: {  	[tilespmem:s26], [sflag:$0x2] =	stream.indirect_vreg.gather [hbm4b:s1+s11], $0x80, v2, vm0, $0xb8;
	[tilespmem:$0x14200] =	vst v63  }
0xa7: {  	s19 =	simm.s32 $0xEA00  }
0xa8: {  	[tilespmem:s19], [sflag:$0x2] =	stream.indirect_vreg.gather [hbm4b:s12+s11], $0x80, v2, vm0, $0xb8;
	[tilespmem:$0x14200] =	vst v63  }
0xa9: {  	s2 =	simm.s32 $0xF200  }
0xaa: {  	[tilespmem:s2], [sflag:$0x2] =	stream.indirect_vreg.gather [hbm4b:s13+s11], $0x80, v2, vm0, $0xb8;
	[tilespmem:$0x14200] =	vst v63  }
0xab: {  	s7 =	simm.s32 $0xFA00  }
0xac: {  	[tilespmem:s7], [sflag:$0x2] =	stream.indirect_vreg.gather [hbm4b:s14+s11], $0x80, v2, vm0, $0xb8;
	[tilespmem:$0x14200] =	vst v63  }
0xad: {  	s18 =	sand.u32 $0x1C00, s11;
	_ =	swait.ge [sflag:s25], $0x2000  }
0xae: {  	s19 =	sor.u32 s18, s11;
	[sflag:s25] =	ssyncset.done $0x0  }
0xaf: {  	s2 =	sor.u32 $0x70, s19;
	s7 =	sand.u32 $0x380, s11;
	[sflag:s25] =	ssyncadd.s32 $0xFFFFE000  }
0xb0: {  	s18 =	sor.u32 s7, s18;
	v2 =	vld [tilespmem:s2+$0x200]  }
0xb1: {  	v5 =	vld [tilespmem:s18+$0x200]  }
0xb2: {  	v6 =	vld [tilespmem:s18+$0x210]  }
0xb3: {  	v7 =	vld [tilespmem:s18+$0x220]  }
0xb4: {  	v8 =	vld [tilespmem:s18+$0x230]  }
0xb5: {  	v4 =	vld [tilespmem:s18+$0x240]  }
0xb6: {  	v3 =	vld [tilespmem:s18+$0x250]  }
0xb7: {  	[tilespmem:s2+$0x6200] =	vst.add.f32.msk $0xffff, v2  }
0xb8: {  	v2 =	vld [tilespmem:s18+$0x260]  }
0xb9: {  	[tilespmem:s18+$0x6200] =	vst.add.f32.msk $0xffff, v5  }
0xba: {  	[tilespmem:s18+$0x6210] =	vst.add.f32.msk $0xffff, v6  }
0xbb: {  	[tilespmem:s18+$0x6220] =	vst.add.f32.msk $0xffff, v7  }
0xbc: {  	s29 =	simm.s32 $0x400;
	s7 =	simm.s32 $0x0;
	[tilespmem:s18+$0x6230] =	vst.add.f32.msk $0xffff, v8  }
.LBB2_5:
0xbd: {  	s0 =	sand.u32 $0x1C00, s29;
	s7 =	sadd.s32 $0x8, s7;
	[tilespmem:s18+$0x6240] =	vst.add.f32.msk $0xffff, v4;
	s11 =	sadd.s32 $0x10, s11  }
0xbe: {  	s2 =	sand.u32 $0x380, s11;
	s19 =	sor.u32 s0, s11;
	p1 =	slt.u32 s7, $0x1F8;
	[tilespmem:s18+$0x6250] =	vst.add.f32.msk $0xffff, v3  }
0xbf: {  	s19 =	sor.u32 $0x70, s19;
	[tilespmem:s18+$0x6260] =	vst.add.f32.msk $0xffff, v2;
	s18 =	sor.u32 s2, s0  }
0xc0: {  	v2 =	vld [tilespmem:s19+$0x200]  }
0xc1: {  	v5 =	vld [tilespmem:s18+$0x200]  }
0xc2: {  	v6 =	vld [tilespmem:s18+$0x210]  }
0xc3: {  	v7 =	vld [tilespmem:s18+$0x220]  }
0xc4: {  	v8 =	vld [tilespmem:s18+$0x230]  }
0xc5: {  	[tilespmem:s19+$0x6200] =	vst.add.f32.msk $0xffff, v2  }
0xc6: {  	v4 =	vld [tilespmem:s18+$0x240]  }
0xc7: {  	v3 =	vld [tilespmem:s18+$0x250]  }
.Ltmp1:
0xc8: {  	v2 =	vld [tilespmem:s18+$0x260];
	(pc) =	sbr.rel @p1 .LBB2_5-.Ltmp1, $4  }
0xc9: {  	[tilespmem:s18+$0x6200] =	vst.add.f32.msk $0xffff, v5  }
0xca: {  	[tilespmem:s18+$0x6210] =	vst.add.f32.msk $0xffff, v6  }
0xcb: {  	[tilespmem:s18+$0x6220] =	vst.add.f32.msk $0xffff, v7  }
0xcc: {  	s29 =	sadd.s32 $0x400, s29;
	[tilespmem:s18+$0x6230] =	vst.add.f32.msk $0xffff, v8  }
0xcd: {  	[tilespmem:s18+$0x6240] =	vst.add.f32.msk $0xffff, v4;
	s0 =	sadd.s32 s15, s24  }
0xce: {  	[tilespmem:s18+$0x6250] =	vst.add.f32.msk $0xffff, v3;
	s0 =	sshll.u32 s0, $0x7  }
0xcf: {  	[tilespmem:s18+$0x6260] =	vst.add.f32.msk $0xffff, v2;
	s2 =	simm.s32 $0x6200;
	s0 =	sadd.s32 s3, s0  }
0xd0: {  	[hbm4b:s0+s4] =	stream.linear.scatter [tilespmem:s2], [sflag:$0x3], $0x2000, $0x38;
	[tilespmem:$0x14200] =	vst v63  }
0xd1: {  	s0 =	simm.s32 @!p0 $0x3  }
0xd2: {  	_ =	swait.ge @!p0 [sflag:s0], $0x2000  }
0xd3: {  	[sflag:s0] =	ssyncset.done @!p0 $0x0  }
0xd4: {  	[sflag:s0] =	ssyncadd.s32 @!p0 $0xFFFFE000  }
0xd5: {  	v2 =	vld.msk [tilespmem:s24+$0x108], $0xff;
	_ =	sdelay $0x4  }
0xd6: {  	v3 =	vshll.u32 v2, $0x3  }
0xd7: {  	v2 =	vand.u32 $0x7, v2;
	v3 =	vand.u32 $0xFFFFFFC0, v3  }
0xd8: {  	v2 =	vor.u32 v2, v3  }
0xd9: {  	v2 =	vperm.xlane v2, v0;
	_ =	sdelay $0x1  }
0xda: {  	v2 =	vadd.s32 v1, v2;
	_ =	sdelay $0x3  }
0xdb: {  	s11 =	simm.s32 $0x0  }
0xdc: {  	[tilespmem:s10], [sflag:$0x2] =	stream.indirect_vreg.gather [hbm4b:s1+s11], $0x80, v2, vm0, $0xb8;
	[tilespmem:$0x14200] =	vst v63  }
0xdd: {  	s19 =	simm.s32 $0x10A00  }
0xde: {  	[tilespmem:s19], [sflag:$0x2] =	stream.indirect_vreg.gather [hbm4b:s12+s11], $0x80, v2, vm0, $0xb8;
	[tilespmem:$0x14200] =	vst v63  }
0xdf: {  	s2 =	simm.s32 $0x11200  }
0xe0: {  	[tilespmem:s2], [sflag:$0x2] =	stream.indirect_vreg.gather [hbm4b:s13+s11], $0x80, v2, vm0, $0xb8;
	[tilespmem:$0x14200] =	vst v63  }
0xe1: {  	s7 =	simm.s32 $0x11A00  }
0xe2: {  	[tilespmem:s7], [sflag:$0x2] =	stream.indirect_vreg.gather [hbm4b:s14+s11], $0x80, v2, vm0, $0xb8;
	[tilespmem:$0x14200] =	vst v63  }
0xe3: {  	s18 =	sand.u32 $0x1C00, s11;
	_ =	swait.ge [sflag:s25], $0x2000  }
0xe4: {  	s19 =	sor.u32 s18, s11;
	[sflag:s25] =	ssyncset.done $0x0  }
0xe5: {  	s2 =	sor.u32 $0x70, s19;
	s7 =	sand.u32 $0x380, s11;
	[sflag:s25] =	ssyncadd.s32 $0xFFFFE000  }
0xe6: {  	s18 =	sor.u32 s7, s18;
	v2 =	vld [tilespmem:s2+$0x200]  }
0xe7: {  	v5 =	vld [tilespmem:s18+$0x200]  }
0xe8: {  	v6 =	vld [tilespmem:s18+$0x210]  }
0xe9: {  	v7 =	vld [tilespmem:s18+$0x220]  }
0xea: {  	v8 =	vld [tilespmem:s18+$0x230]  }
0xeb: {  	v4 =	vld [tilespmem:s18+$0x240]  }
0xec: {  	v3 =	vld [tilespmem:s18+$0x250]  }
0xed: {  	[tilespmem:s2+$0x8200] =	vst.add.f32.msk $0xffff, v2  }
0xee: {  	v2 =	vld [tilespmem:s18+$0x260]  }
0xef: {  	[tilespmem:s18+$0x8200] =	vst.add.f32.msk $0xffff, v5  }
0xf0: {  	[tilespmem:s18+$0x8210] =	vst.add.f32.msk $0xffff, v6  }
0xf1: {  	[tilespmem:s18+$0x8220] =	vst.add.f32.msk $0xffff, v7  }
0xf2: {  	s29 =	simm.s32 $0x400;
	s7 =	simm.s32 $0x0;
	[tilespmem:s18+$0x8230] =	vst.add.f32.msk $0xffff, v8  }
.LBB2_7:
0xf3: {  	s0 =	sand.u32 $0x1C00, s29;
	s7 =	sadd.s32 $0x8, s7;
	[tilespmem:s18+$0x8240] =	vst.add.f32.msk $0xffff, v4;
	s11 =	sadd.s32 $0x10, s11  }
0xf4: {  	s2 =	sand.u32 $0x380, s11;
	s19 =	sor.u32 s0, s11;
	p1 =	slt.u32 s7, $0x1F8;
	[tilespmem:s18+$0x8250] =	vst.add.f32.msk $0xffff, v3  }
0xf5: {  	s19 =	sor.u32 $0x70, s19;
	[tilespmem:s18+$0x8260] =	vst.add.f32.msk $0xffff, v2;
	s18 =	sor.u32 s2, s0  }
0xf6: {  	v2 =	vld [tilespmem:s19+$0x200]  }
0xf7: {  	v5 =	vld [tilespmem:s18+$0x200]  }
0xf8: {  	v6 =	vld [tilespmem:s18+$0x210]  }
0xf9: {  	v7 =	vld [tilespmem:s18+$0x220]  }
0xfa: {  	v8 =	vld [tilespmem:s18+$0x230]  }
0xfb: {  	[tilespmem:s19+$0x8200] =	vst.add.f32.msk $0xffff, v2  }
0xfc: {  	v4 =	vld [tilespmem:s18+$0x240]  }
0xfd: {  	v3 =	vld [tilespmem:s18+$0x250]  }
.Ltmp2:
0xfe: {  	v2 =	vld [tilespmem:s18+$0x260];
	(pc) =	sbr.rel @p1 .LBB2_7-.Ltmp2, $4  }
0xff: {  	[tilespmem:s18+$0x8200] =	vst.add.f32.msk $0xffff, v5  }
0x100: {  	[tilespmem:s18+$0x8210] =	vst.add.f32.msk $0xffff, v6  }
0x101: {  	[tilespmem:s18+$0x8220] =	vst.add.f32.msk $0xffff, v7  }
0x102: {  	s29 =	sadd.s32 $0x400, s29;
	[tilespmem:s18+$0x8230] =	vst.add.f32.msk $0xffff, v8  }
0x103: {  	[tilespmem:s18+$0x8240] =	vst.add.f32.msk $0xffff, v4;
	s0 =	sadd.s32 s16, s24  }
0x104: {  	[tilespmem:s18+$0x8250] =	vst.add.f32.msk $0xffff, v3;
	s0 =	sshll.u32 s0, $0x7  }
0x105: {  	[tilespmem:s18+$0x8260] =	vst.add.f32.msk $0xffff, v2;
	s2 =	simm.s32 $0x8200;
	s0 =	sadd.s32 s3, s0  }
0x106: {  	[hbm4b:s0+s4] =	stream.linear.scatter [tilespmem:s2], [sflag:$0x3], $0x2000, $0x38;
	[tilespmem:$0x14200] =	vst v63  }
0x107: {  	s0 =	simm.s32 @!p0 $0x3  }
0x108: {  	_ =	swait.ge @!p0 [sflag:s0], $0x2000  }
0x109: {  	[sflag:s0] =	ssyncset.done @!p0 $0x0  }
0x10a: {  	[sflag:s0] =	ssyncadd.s32 @!p0 $0xFFFFE000  }
0x10b: {  	v2 =	vld.msk [tilespmem:s24+$0x188], $0xff;
	_ =	sdelay $0x4  }
0x10c: {  	v3 =	vshll.u32 v2, $0x3  }
0x10d: {  	v2 =	vand.u32 $0x7, v2;
	v3 =	vand.u32 $0xFFFFFFC0, v3  }
0x10e: {  	v2 =	vor.u32 v2, v3  }
0x10f: {  	v2 =	vperm.xlane v2, v0;
	_ =	sdelay $0x1  }
0x110: {  	v2 =	vadd.s32 v1, v2;
	_ =	sdelay $0x3  }
0x111: {  	s11 =	simm.s32 $0x0  }
0x112: {  	[tilespmem:s31], [sflag:$0x2] =	stream.indirect_vreg.gather [hbm4b:s1+s11], $0x80, v2, vm0, $0xb8;
	[tilespmem:$0x14200] =	vst v63  }
0x113: {  	s2 =	simm.s32 $0x12A00  }
0x114: {  	[tilespmem:s2], [sflag:$0x2] =	stream.indirect_vreg.gather [hbm4b:s12+s11], $0x80, v2, vm0, $0xb8;
	[tilespmem:$0x14200] =	vst v63  }
0x115: {  	s7 =	simm.s32 $0x13200  }
0x116: {  	[tilespmem:s7], [sflag:$0x2] =	stream.indirect_vreg.gather [hbm4b:s13+s11], $0x80, v2, vm0, $0xb8;
	[tilespmem:$0x14200] =	vst v63  }
0x117: {  	_ = 	snop  }
0x118: {  	[tilespmem:s21], [sflag:$0x2] =	stream.indirect_vreg.gather [hbm4b:s14+s11], $0x80, v2, vm0, $0xb8;
	[tilespmem:$0x14200] =	vst v63  }
0x119: {  	s18 =	sand.u32 $0x1C00, s11;
	_ =	swait.ge [sflag:s25], $0x2000  }
0x11a: {  	s19 =	sor.u32 s18, s11;
	[sflag:s25] =	ssyncset.done $0x0  }
0x11b: {  	s2 =	sor.u32 $0x70, s19;
	s7 =	sand.u32 $0x380, s11;
	[sflag:s25] =	ssyncadd.s32 $0xFFFFE000  }
0x11c: {  	s18 =	sor.u32 s7, s18;
	v2 =	vld [tilespmem:s2+$0x200]  }
0x11d: {  	v5 =	vld [tilespmem:s18+$0x200]  }
0x11e: {  	v6 =	vld [tilespmem:s18+$0x210]  }
0x11f: {  	v7 =	vld [tilespmem:s18+$0x220]  }
0x120: {  	v8 =	vld [tilespmem:s18+$0x230]  }
0x121: {  	v4 =	vld [tilespmem:s18+$0x240]  }
0x122: {  	v3 =	vld [tilespmem:s18+$0x250]  }
0x123: {  	[tilespmem:s2+$0xA200] =	vst.add.f32.msk $0xffff, v2  }
0x124: {  	v2 =	vld [tilespmem:s18+$0x260]  }
0x125: {  	[tilespmem:s18+$0xA200] =	vst.add.f32.msk $0xffff, v5  }
0x126: {  	[tilespmem:s18+$0xA210] =	vst.add.f32.msk $0xffff, v6  }
0x127: {  	[tilespmem:s18+$0xA220] =	vst.add.f32.msk $0xffff, v7  }
0x128: {  	s29 =	simm.s32 $0x400;
	s7 =	simm.s32 $0x0;
	[tilespmem:s18+$0xA230] =	vst.add.f32.msk $0xffff, v8  }
.LBB2_9:
0x129: {  	s0 =	sand.u32 $0x1C00, s29;
	s7 =	sadd.s32 $0x8, s7;
	[tilespmem:s18+$0xA240] =	vst.add.f32.msk $0xffff, v4;
	s11 =	sadd.s32 $0x10, s11  }
0x12a: {  	s2 =	sand.u32 $0x380, s11;
	s19 =	sor.u32 s0, s11;
	p0 =	slt.u32 s7, $0x1F8;
	[tilespmem:s18+$0xA250] =	vst.add.f32.msk $0xffff, v3  }
0x12b: {  	s19 =	sor.u32 $0x70, s19;
	[tilespmem:s18+$0xA260] =	vst.add.f32.msk $0xffff, v2;
	s18 =	sor.u32 s2, s0  }
0x12c: {  	v2 =	vld [tilespmem:s19+$0x200]  }
0x12d: {  	v5 =	vld [tilespmem:s18+$0x200]  }
0x12e: {  	v6 =	vld [tilespmem:s18+$0x210]  }
0x12f: {  	v7 =	vld [tilespmem:s18+$0x220]  }
0x130: {  	v8 =	vld [tilespmem:s18+$0x230]  }
0x131: {  	[tilespmem:s19+$0xA200] =	vst.add.f32.msk $0xffff, v2  }
0x132: {  	v4 =	vld [tilespmem:s18+$0x240]  }
0x133: {  	v3 =	vld [tilespmem:s18+$0x250]  }
.Ltmp3:
0x134: {  	v2 =	vld [tilespmem:s18+$0x260];
	(pc) =	sbr.rel @p0 .LBB2_9-.Ltmp3, $4  }
0x135: {  	[tilespmem:s18+$0xA200] =	vst.add.f32.msk $0xffff, v5  }
0x136: {  	[tilespmem:s18+$0xA210] =	vst.add.f32.msk $0xffff, v6  }
0x137: {  	[tilespmem:s18+$0xA220] =	vst.add.f32.msk $0xffff, v7  }
0x138: {  	s29 =	sadd.s32 $0x400, s29;
	[tilespmem:s18+$0xA230] =	vst.add.f32.msk $0xffff, v8  }
0x139: {  	[tilespmem:s18+$0xA240] =	vst.add.f32.msk $0xffff, v4;
	s0 =	sadd.s32 s17, s24  }
0x13a: {  	[tilespmem:s18+$0xA250] =	vst.add.f32.msk $0xffff, v3;
	s0 =	sshll.u32 s0, $0x7  }
0x13b: {  	[tilespmem:s18+$0xA260] =	vst.add.f32.msk $0xffff, v2;
	s0 =	sadd.s32 s3, s0  }
0x13c: {  	[hbm4b:s0+s4] =	stream.linear.scatter [tilespmem:s23], [sflag:$0x3], $0x2000, $0x38;
	[tilespmem:$0x14200] =	vst v63  }
0x13d: {  	_ =	swait.ge [sflag:s22], $0x2000  }
0x13e: {  	p0 =	seq.s32 s28, $0x7;
	[sflag:s22] =	ssyncset.done $0x0  }
0x13f: {  	s0 =	simm.s32 @p0 $0x1;
	[sflag:s22] =	ssyncadd.s32 $0xFFFFE000  }
0x140: {  	_ =	swait.ge @p0 [sflag:s0], $0x2000  }
0x141: {  	[sflag:s0] =	ssyncset.done @p0 $0x0  }
0x142: {  	[sflag:s0] =	ssyncadd.s32 @p0 $0xFFFFE000  }
0x143: {  	v2 =	vld.msk @!p0 [tilespmem:s24+$0x10], $0xff;
	_ =	sdelay $0x4  }
0x144: {  	v3 =	vshll.u32 @!p0 v2, $0x3  }
0x145: {  	v4 =	vlaneseq.u32 @!p0;
	v2 =	vand.u32 @!p0 $0x7, v2;
	v3 =	vand.u32 @!p0 $0xFFFFFFC0, v3  }
0x146: {  	v2 =	vor.u32 @!p0 v2, v3;
	v3 =	vand.u32 @!p0 $0x7, v4;
	v4 =	vshrl.u32 @!p0 v4, $0x3  }
0x147: {  	v2 =	vperm.xlane @!p0 v2, v3;
	v3 =	vmul.u32 @!p0 $0x8, v4;
	_ =	sdelay $0x1  }
0x148: {  	v2 =	vadd.s32 @!p0 v3, v2;
	_ =	sdelay $0x3  }
0x149: {  	vm1 =	vmmov @!p0 $0xffff;
	s2 =	simm.s32 @!p0 $0x4200;
	s0 =	simm.s32 @!p0 $0x0  }
0x14a: {  	[tilespmem:s2], [sflag:$0x2] =	stream.indirect_vreg.gather @!p0 [hbm4b:s1+s0], $0x80, v2, vm1, $0xb8;
	[tilespmem:$0x14200] =	vst v63  }
0x14b: {  	s2 =	simm.s32 @!p0 $0x4A00  }
0x14c: {  	[tilespmem:s2], [sflag:$0x2] =	stream.indirect_vreg.gather @!p0 [hbm4b:s12+s0], $0x80, v2, vm1, $0xb8;
	[tilespmem:$0x14200] =	vst v63  }
0x14d: {  	s2 =	simm.s32 @!p0 $0x5200  }
0x14e: {  	[tilespmem:s2], [sflag:$0x2] =	stream.indirect_vreg.gather @!p0 [hbm4b:s13+s0], $0x80, v2, vm1, $0xb8;
	[tilespmem:$0x14200] =	vst v63  }
0x14f: {  	s2 =	simm.s32 @!p0 $0x5A00  }
0x150: {  	[tilespmem:s2], [sflag:$0x2] =	stream.indirect_vreg.gather @!p0 [hbm4b:s14+s0], $0x80, v2, vm1, $0xb8;
	[tilespmem:$0x14200] =	vst v63  }
0x151: {  	s7 =	simm.s32 @!p0 $0x1;
	s2 =	sadd.s32 @!p0 $0x10, s24  }
0x152: {  	_ =	swait.ge @!p0 [sflag:s7], $0x2000;
	s2 =	sadd.s32 @!p0 s5, s2  }
0x153: {  	s11 =	simm.s32 $0x0;
	[sflag:s7] =	ssyncset.done @!p0 $0x0;
	s2 =	sshll.u32 @!p0 s2, $0x7  }
0x154: {  	[sflag:s7] =	ssyncadd.s32 @!p0 $0xFFFFE000;
	s2 =	sadd.s32 @!p0 s6, s2;
	s7 =	simm.s32 @!p0 $0x200  }
0x155: {  	[tilespmem:s7], [sflag:$0x1] =	stream.linear.gather @!p0 [hbm4b:s2+s0], $0x2000, $0x38;
	[tilespmem:$0x14200] =	vst v63  }
0x156: {  	s19 =	sand.u32 $0x1C00, s11;
	_ =	swait.ge [sflag:s25], $0x2000  }
0x157: {  	s24 =	sor.u32 s19, s11;
	[sflag:s25] =	ssyncset.done $0x0  }
0x158: {  	s29 =	sand.u32 $0x380, s11;
	s2 =	sor.u32 $0x70, s24;
	[sflag:s25] =	ssyncadd.s32 $0xFFFFE000  }
0x159: {  	s18 =	sor.u32 s29, s19;
	v2 =	vld [tilespmem:s2+$0x2200]  }
0x15a: {  	v5 =	vld [tilespmem:s18+$0x2200]  }
0x15b: {  	v6 =	vld [tilespmem:s18+$0x2210]  }
0x15c: {  	v7 =	vld [tilespmem:s18+$0x2220]  }
0x15d: {  	v8 =	vld [tilespmem:s18+$0x2230]  }
0x15e: {  	v4 =	vld [tilespmem:s18+$0x2240]  }
0x15f: {  	v3 =	vld [tilespmem:s18+$0x2250]  }
0x160: {  	[tilespmem:s2+$0xC200] =	vst.add.f32.msk $0xffff, v2  }
0x161: {  	v2 =	vld [tilespmem:s18+$0x2260]  }
0x162: {  	[tilespmem:s18+$0xC200] =	vst.add.f32.msk $0xffff, v5  }
0x163: {  	[tilespmem:s18+$0xC210] =	vst.add.f32.msk $0xffff, v6  }
0x164: {  	[tilespmem:s18+$0xC220] =	vst.add.f32.msk $0xffff, v7  }
0x165: {  	s7 =	simm.s32 $0x0;
	s24 =	simm.s32 $0x400;
	[tilespmem:s18+$0xC230] =	vst.add.f32.msk $0xffff, v8  }
.LBB2_11:
0x166: {  	s0 =	sand.u32 $0x1C00, s24;
	s7 =	sadd.s32 $0x8, s7;
	[tilespmem:s18+$0xC240] =	vst.add.f32.msk $0xffff, v4;
	s11 =	sadd.s32 $0x10, s11  }
0x167: {  	s2 =	sand.u32 $0x380, s11;
	s19 =	sor.u32 s0, s11;
	p1 =	slt.u32 s7, $0x1F8;
	[tilespmem:s18+$0xC250] =	vst.add.f32.msk $0xffff, v3  }
0x168: {  	s19 =	sor.u32 $0x70, s19;
	[tilespmem:s18+$0xC260] =	vst.add.f32.msk $0xffff, v2;
	s18 =	sor.u32 s2, s0  }
0x169: {  	v2 =	vld [tilespmem:s19+$0x2200]  }
0x16a: {  	v5 =	vld [tilespmem:s18+$0x2200]  }
0x16b: {  	v6 =	vld [tilespmem:s18+$0x2210]  }
0x16c: {  	v7 =	vld [tilespmem:s18+$0x2220]  }
0x16d: {  	v8 =	vld [tilespmem:s18+$0x2230]  }
0x16e: {  	[tilespmem:s19+$0xC200] =	vst.add.f32.msk $0xffff, v2  }
0x16f: {  	v4 =	vld [tilespmem:s18+$0x2240]  }
0x170: {  	v3 =	vld [tilespmem:s18+$0x2250]  }
.Ltmp4:
0x171: {  	v2 =	vld [tilespmem:s18+$0x2260];
	(pc) =	sbr.rel @p1 .LBB2_11-.Ltmp4, $4  }
0x172: {  	[tilespmem:s18+$0xC200] =	vst.add.f32.msk $0xffff, v5  }
0x173: {  	[tilespmem:s18+$0xC210] =	vst.add.f32.msk $0xffff, v6  }
0x174: {  	[tilespmem:s18+$0xC220] =	vst.add.f32.msk $0xffff, v7  }
0x175: {  	s24 =	sadd.s32 $0x400, s24;
	[tilespmem:s18+$0xC230] =	vst.add.f32.msk $0xffff, v8  }
0x176: {  	[tilespmem:s18+$0xC240] =	vst.add.f32.msk $0xffff, v4  }
0x177: {  	[tilespmem:s18+$0xC250] =	vst.add.f32.msk $0xffff, v3  }
0x178: {  	[tilespmem:s18+$0xC260] =	vst.add.f32.msk $0xffff, v2;
	s0 =	sadd.s32 s3, s9  }
0x179: {  	[hbm4b:s0+s4] =	stream.linear.scatter [tilespmem:s30], [sflag:$0x3], $0x2000, $0x38;
	[tilespmem:$0x14200] =	vst v63  }
0x17a: {  	_ =	swait.ge [sflag:s22], $0x2000  }
0x17b: {  	s0 =	sshll.u32 @!p0 s28, $0x4;
	[sflag:s22] =	ssyncset.done $0x0  }
0x17c: {  	s9 =	sand.u32 @!p0 $0x3FFFFFF0, s0;
	[sflag:s22] =	ssyncadd.s32 $0xFFFFE000  }
0x17d: {  	v2 =	vld.msk @!p0 [tilespmem:s9+$0x90], $0xff;
	_ =	sdelay $0x4  }
0x17e: {  	v3 =	vshll.u32 @!p0 v2, $0x3  }
0x17f: {  	v4 =	vlaneseq.u32 @!p0;
	v2 =	vand.u32 @!p0 $0x7, v2;
	v3 =	vand.u32 @!p0 $0xFFFFFFC0, v3  }
0x180: {  	v2 =	vor.u32 @!p0 v2, v3;
	v3 =	vand.u32 @!p0 $0x7, v4;
	v4 =	vshrl.u32 @!p0 v4, $0x3  }
0x181: {  	v2 =	vperm.xlane @!p0 v2, v3;
	v3 =	vmul.u32 @!p0 $0x8, v4;
	_ =	sdelay $0x1  }
0x182: {  	v2 =	vadd.s32 @!p0 v3, v2;
	_ =	sdelay $0x3  }
0x183: {  	s2 =	simm.s32 @!p0 $0x6200;
	s0 =	simm.s32 @!p0 $0x0  }
0x184: {  	[tilespmem:s2], [sflag:$0x2] =	stream.indirect_vreg.gather @!p0 [hbm4b:s1+s0], $0x80, v2, vm1, $0xb8;
	[tilespmem:$0x14200] =	vst v63  }
0x185: {  	s2 =	simm.s32 @!p0 $0x6A00  }
0x186: {  	[tilespmem:s2], [sflag:$0x2] =	stream.indirect_vreg.gather @!p0 [hbm4b:s12+s0], $0x80, v2, vm1, $0xb8;
	[tilespmem:$0x14200] =	vst v63  }
0x187: {  	s2 =	simm.s32 @!p0 $0x7200  }
0x188: {  	[tilespmem:s2], [sflag:$0x2] =	stream.indirect_vreg.gather @!p0 [hbm4b:s13+s0], $0x80, v2, vm1, $0xb8;
	[tilespmem:$0x14200] =	vst v63  }
0x189: {  	s11 =	simm.s32 $0x0;
	s2 =	simm.s32 @!p0 $0x7A00  }
0x18a: {  	[tilespmem:s2], [sflag:$0x2] =	stream.indirect_vreg.gather @!p0 [hbm4b:s14+s0], $0x80, v2, vm1, $0xb8;
	[tilespmem:$0x14200] =	vst v63  }
0x18b: {  	s24 =	sand.u32 $0x1C00, s11;
	_ =	swait.ge [sflag:s25], $0x2000  }
0x18c: {  	s29 =	sor.u32 s24, s11;
	[sflag:s25] =	ssyncset.done $0x0  }
0x18d: {  	s7 =	sand.u32 $0x380, s11;
	s2 =	sor.u32 $0x70, s29;
	[sflag:s25] =	ssyncadd.s32 $0xFFFFE000  }
0x18e: {  	s18 =	sor.u32 s7, s24;
	v2 =	vld [tilespmem:s2+$0x2200]  }
0x18f: {  	v5 =	vld [tilespmem:s18+$0x2200]  }
0x190: {  	v6 =	vld [tilespmem:s18+$0x2210]  }
0x191: {  	v7 =	vld [tilespmem:s18+$0x2220]  }
0x192: {  	v8 =	vld [tilespmem:s18+$0x2230]  }
0x193: {  	v4 =	vld [tilespmem:s18+$0x2240]  }
0x194: {  	v3 =	vld [tilespmem:s18+$0x2250]  }
0x195: {  	[tilespmem:s2+$0xE200] =	vst.add.f32.msk $0xffff, v2  }
0x196: {  	v2 =	vld [tilespmem:s18+$0x2260]  }
0x197: {  	[tilespmem:s18+$0xE200] =	vst.add.f32.msk $0xffff, v5  }
0x198: {  	[tilespmem:s18+$0xE210] =	vst.add.f32.msk $0xffff, v6  }
0x199: {  	[tilespmem:s18+$0xE220] =	vst.add.f32.msk $0xffff, v7  }
0x19a: {  	s7 =	simm.s32 $0x0;
	s24 =	simm.s32 $0x400;
	[tilespmem:s18+$0xE230] =	vst.add.f32.msk $0xffff, v8  }
.LBB2_13:
0x19b: {  	s0 =	sand.u32 $0x1C00, s24;
	s7 =	sadd.s32 $0x8, s7;
	[tilespmem:s18+$0xE240] =	vst.add.f32.msk $0xffff, v4;
	s11 =	sadd.s32 $0x10, s11  }
0x19c: {  	s2 =	sand.u32 $0x380, s11;
	s19 =	sor.u32 s0, s11;
	p1 =	slt.u32 s7, $0x1F8;
	[tilespmem:s18+$0xE250] =	vst.add.f32.msk $0xffff, v3  }
0x19d: {  	s19 =	sor.u32 $0x70, s19;
	[tilespmem:s18+$0xE260] =	vst.add.f32.msk $0xffff, v2;
	s18 =	sor.u32 s2, s0  }
0x19e: {  	v2 =	vld [tilespmem:s19+$0x2200]  }
0x19f: {  	v5 =	vld [tilespmem:s18+$0x2200]  }
0x1a0: {  	v6 =	vld [tilespmem:s18+$0x2210]  }
0x1a1: {  	v7 =	vld [tilespmem:s18+$0x2220]  }
0x1a2: {  	v8 =	vld [tilespmem:s18+$0x2230]  }
0x1a3: {  	[tilespmem:s19+$0xE200] =	vst.add.f32.msk $0xffff, v2  }
0x1a4: {  	v4 =	vld [tilespmem:s18+$0x2240]  }
0x1a5: {  	v3 =	vld [tilespmem:s18+$0x2250]  }
.Ltmp5:
0x1a6: {  	v2 =	vld [tilespmem:s18+$0x2260];
	(pc) =	sbr.rel @p1 .LBB2_13-.Ltmp5, $4  }
0x1a7: {  	[tilespmem:s18+$0xE200] =	vst.add.f32.msk $0xffff, v5  }
0x1a8: {  	[tilespmem:s18+$0xE210] =	vst.add.f32.msk $0xffff, v6  }
0x1a9: {  	[tilespmem:s18+$0xE220] =	vst.add.f32.msk $0xffff, v7  }
0x1aa: {  	s24 =	sadd.s32 $0x400, s24;
	[tilespmem:s18+$0xE230] =	vst.add.f32.msk $0xffff, v8  }
0x1ab: {  	[tilespmem:s18+$0xE240] =	vst.add.f32.msk $0xffff, v4;
	s0 =	sadd.s32 s15, s8  }
0x1ac: {  	[tilespmem:s18+$0xE250] =	vst.add.f32.msk $0xffff, v3;
	s0 =	sshll.u32 s0, $0x7  }
0x1ad: {  	[tilespmem:s18+$0xE260] =	vst.add.f32.msk $0xffff, v2;
	s0 =	sadd.s32 s3, s0  }
0x1ae: {  	[hbm4b:s0+s4] =	stream.linear.scatter [tilespmem:s26], [sflag:$0x3], $0x2000, $0x38;
	[tilespmem:$0x14200] =	vst v63  }
0x1af: {  	_ =	swait.ge [sflag:s22], $0x2000  }
0x1b0: {  	[sflag:s22] =	ssyncset.done $0x0  }
0x1b1: {  	[sflag:s22] =	ssyncadd.s32 $0xFFFFE000  }
0x1b2: {  	v2 =	vld.msk @!p0 [tilespmem:s9+$0x110], $0xff;
	_ =	sdelay $0x4  }
0x1b3: {  	v3 =	vshll.u32 @!p0 v2, $0x3  }
0x1b4: {  	v4 =	vlaneseq.u32 @!p0;
	v2 =	vand.u32 @!p0 $0x7, v2;
	v3 =	vand.u32 @!p0 $0xFFFFFFC0, v3  }
0x1b5: {  	v2 =	vor.u32 @!p0 v2, v3;
	v3 =	vand.u32 @!p0 $0x7, v4;
	v4 =	vshrl.u32 @!p0 v4, $0x3  }
0x1b6: {  	v2 =	vperm.xlane @!p0 v2, v3;
	v3 =	vmul.u32 @!p0 $0x8, v4;
	_ =	sdelay $0x1  }
0x1b7: {  	v2 =	vadd.s32 @!p0 v3, v2;
	_ =	sdelay $0x3  }
0x1b8: {  	s2 =	simm.s32 @!p0 $0x8200;
	s0 =	simm.s32 @!p0 $0x0  }
0x1b9: {  	[tilespmem:s2], [sflag:$0x2] =	stream.indirect_vreg.gather @!p0 [hbm4b:s1+s0], $0x80, v2, vm1, $0xb8;
	[tilespmem:$0x14200] =	vst v63  }
0x1ba: {  	s2 =	simm.s32 @!p0 $0x8A00  }
0x1bb: {  	[tilespmem:s2], [sflag:$0x2] =	stream.indirect_vreg.gather @!p0 [hbm4b:s12+s0], $0x80, v2, vm1, $0xb8;
	[tilespmem:$0x14200] =	vst v63  }
0x1bc: {  	s2 =	simm.s32 @!p0 $0x9200  }
0x1bd: {  	[tilespmem:s2], [sflag:$0x2] =	stream.indirect_vreg.gather @!p0 [hbm4b:s13+s0], $0x80, v2, vm1, $0xb8;
	[tilespmem:$0x14200] =	vst v63  }
0x1be: {  	s11 =	simm.s32 $0x0;
	s2 =	simm.s32 @!p0 $0x9A00  }
0x1bf: {  	[tilespmem:s2], [sflag:$0x2] =	stream.indirect_vreg.gather @!p0 [hbm4b:s14+s0], $0x80, v2, vm1, $0xb8;
	[tilespmem:$0x14200] =	vst v63  }
0x1c0: {  	s24 =	sand.u32 $0x1C00, s11;
	_ =	swait.ge [sflag:s25], $0x2000  }
0x1c1: {  	s29 =	sor.u32 s24, s11;
	[sflag:s25] =	ssyncset.done $0x0  }
0x1c2: {  	s7 =	sand.u32 $0x380, s11;
	s2 =	sor.u32 $0x70, s29;
	[sflag:s25] =	ssyncadd.s32 $0xFFFFE000  }
0x1c3: {  	s18 =	sor.u32 s7, s24;
	v2 =	vld [tilespmem:s2+$0x2200]  }
0x1c4: {  	v5 =	vld [tilespmem:s18+$0x2200]  }
0x1c5: {  	v6 =	vld [tilespmem:s18+$0x2210]  }
0x1c6: {  	v7 =	vld [tilespmem:s18+$0x2220]  }
0x1c7: {  	v8 =	vld [tilespmem:s18+$0x2230]  }
0x1c8: {  	v4 =	vld [tilespmem:s18+$0x2240]  }
0x1c9: {  	v3 =	vld [tilespmem:s18+$0x2250]  }
0x1ca: {  	[tilespmem:s2+$0x10200] =	vst.add.f32.msk $0xffff, v2  }
0x1cb: {  	v2 =	vld [tilespmem:s18+$0x2260]  }
0x1cc: {  	[tilespmem:s18+$0x10200] =	vst.add.f32.msk $0xffff, v5  }
0x1cd: {  	[tilespmem:s18+$0x10210] =	vst.add.f32.msk $0xffff, v6  }
0x1ce: {  	[tilespmem:s18+$0x10220] =	vst.add.f32.msk $0xffff, v7  }
0x1cf: {  	s7 =	simm.s32 $0x0;
	s24 =	simm.s32 $0x400;
	[tilespmem:s18+$0x10230] =	vst.add.f32.msk $0xffff, v8  }
.LBB2_15:
0x1d0: {  	s0 =	sand.u32 $0x1C00, s24;
	s7 =	sadd.s32 $0x8, s7;
	[tilespmem:s18+$0x10240] =	vst.add.f32.msk $0xffff, v4;
	s11 =	sadd.s32 $0x10, s11  }
0x1d1: {  	s2 =	sand.u32 $0x380, s11;
	s19 =	sor.u32 s0, s11;
	p1 =	slt.u32 s7, $0x1F8;
	[tilespmem:s18+$0x10250] =	vst.add.f32.msk $0xffff, v3  }
0x1d2: {  	s19 =	sor.u32 $0x70, s19;
	[tilespmem:s18+$0x10260] =	vst.add.f32.msk $0xffff, v2;
	s18 =	sor.u32 s2, s0  }
0x1d3: {  	v2 =	vld [tilespmem:s19+$0x2200]  }
0x1d4: {  	v5 =	vld [tilespmem:s18+$0x2200]  }
0x1d5: {  	v6 =	vld [tilespmem:s18+$0x2210]  }
0x1d6: {  	v7 =	vld [tilespmem:s18+$0x2220]  }
0x1d7: {  	v8 =	vld [tilespmem:s18+$0x2230]  }
0x1d8: {  	[tilespmem:s19+$0x10200] =	vst.add.f32.msk $0xffff, v2  }
0x1d9: {  	v4 =	vld [tilespmem:s18+$0x2240]  }
0x1da: {  	v3 =	vld [tilespmem:s18+$0x2250]  }
.Ltmp6:
0x1db: {  	v2 =	vld [tilespmem:s18+$0x2260];
	(pc) =	sbr.rel @p1 .LBB2_15-.Ltmp6, $4  }
0x1dc: {  	[tilespmem:s18+$0x10200] =	vst.add.f32.msk $0xffff, v5  }
0x1dd: {  	[tilespmem:s18+$0x10210] =	vst.add.f32.msk $0xffff, v6  }
0x1de: {  	[tilespmem:s18+$0x10220] =	vst.add.f32.msk $0xffff, v7  }
0x1df: {  	s24 =	sadd.s32 $0x400, s24;
	[tilespmem:s18+$0x10230] =	vst.add.f32.msk $0xffff, v8  }
0x1e0: {  	[tilespmem:s18+$0x10240] =	vst.add.f32.msk $0xffff, v4;
	s0 =	sadd.s32 s16, s8  }
0x1e1: {  	[tilespmem:s18+$0x10250] =	vst.add.f32.msk $0xffff, v3;
	s0 =	sshll.u32 s0, $0x7  }
0x1e2: {  	[tilespmem:s18+$0x10260] =	vst.add.f32.msk $0xffff, v2;
	s0 =	sadd.s32 s3, s0  }
0x1e3: {  	[hbm4b:s0+s4] =	stream.linear.scatter [tilespmem:s10], [sflag:$0x3], $0x2000, $0x38;
	[tilespmem:$0x14200] =	vst v63  }
0x1e4: {  	_ =	swait.ge [sflag:s22], $0x2000  }
0x1e5: {  	[sflag:s22] =	ssyncset.done $0x0  }
0x1e6: {  	[sflag:s22] =	ssyncadd.s32 $0xFFFFE000  }
0x1e7: {  	v2 =	vld.msk @!p0 [tilespmem:s9+$0x190], $0xff;
	_ =	sdelay $0x4  }
0x1e8: {  	v3 =	vshll.u32 @!p0 v2, $0x3  }
0x1e9: {  	v4 =	vlaneseq.u32 @!p0;
	v2 =	vand.u32 @!p0 $0x7, v2;
	v3 =	vand.u32 @!p0 $0xFFFFFFC0, v3  }
0x1ea: {  	v2 =	vor.u32 @!p0 v2, v3;
	v3 =	vand.u32 @!p0 $0x7, v4;
	v4 =	vshrl.u32 @!p0 v4, $0x3  }
0x1eb: {  	v2 =	vperm.xlane @!p0 v2, v3;
	v3 =	vmul.u32 @!p0 $0x8, v4;
	_ =	sdelay $0x1  }
0x1ec: {  	v2 =	vadd.s32 @!p0 v3, v2;
	_ =	sdelay $0x3  }
0x1ed: {  	s2 =	simm.s32 @!p0 $0xA200;
	s0 =	simm.s32 @!p0 $0x0  }
0x1ee: {  	[tilespmem:s2], [sflag:$0x2] =	stream.indirect_vreg.gather @!p0 [hbm4b:s1+s0], $0x80, v2, vm1, $0xb8;
	[tilespmem:$0x14200] =	vst v63  }
0x1ef: {  	s2 =	simm.s32 @!p0 $0xAA00  }
0x1f0: {  	[tilespmem:s2], [sflag:$0x2] =	stream.indirect_vreg.gather @!p0 [hbm4b:s12+s0], $0x80, v2, vm1, $0xb8;
	[tilespmem:$0x14200] =	vst v63  }
0x1f1: {  	s2 =	simm.s32 @!p0 $0xB200  }
0x1f2: {  	[tilespmem:s2], [sflag:$0x2] =	stream.indirect_vreg.gather @!p0 [hbm4b:s13+s0], $0x80, v2, vm1, $0xb8;
	[tilespmem:$0x14200] =	vst v63  }
0x1f3: {  	s9 =	simm.s32 $0x0;
	s2 =	simm.s32 @!p0 $0xBA00  }
0x1f4: {  	[tilespmem:s2], [sflag:$0x2] =	stream.indirect_vreg.gather @!p0 [hbm4b:s14+s0], $0x80, v2, vm1, $0xb8;
	[tilespmem:$0x14200] =	vst v63  }
0x1f5: {  	s24 =	sand.u32 $0x1C00, s9;
	_ =	swait.ge [sflag:s25], $0x2000  }
0x1f6: {  	s29 =	sor.u32 s24, s9;
	[sflag:s25] =	ssyncset.done $0x0  }
0x1f7: {  	s7 =	sand.u32 $0x380, s9;
	s2 =	sor.u32 $0x70, s29;
	[sflag:s25] =	ssyncadd.s32 $0xFFFFE000  }
0x1f8: {  	s11 =	sor.u32 s7, s24;
	v2 =	vld [tilespmem:s2+$0x2200]  }
0x1f9: {  	v5 =	vld [tilespmem:s11+$0x2200]  }
0x1fa: {  	v6 =	vld [tilespmem:s11+$0x2210]  }
0x1fb: {  	v7 =	vld [tilespmem:s11+$0x2220]  }
0x1fc: {  	v8 =	vld [tilespmem:s11+$0x2230]  }
0x1fd: {  	v4 =	vld [tilespmem:s11+$0x2240]  }
0x1fe: {  	v3 =	vld [tilespmem:s11+$0x2250]  }
0x1ff: {  	[tilespmem:s2+$0x12200] =	vst.add.f32.msk $0xffff, v2  }
0x200: {  	v2 =	vld [tilespmem:s11+$0x2260]  }
0x201: {  	[tilespmem:s11+$0x12200] =	vst.add.f32.msk $0xffff, v5  }
0x202: {  	[tilespmem:s11+$0x12210] =	vst.add.f32.msk $0xffff, v6  }
0x203: {  	[tilespmem:s11+$0x12220] =	vst.add.f32.msk $0xffff, v7  }
0x204: {  	s18 =	simm.s32 $0x400;
	s7 =	simm.s32 $0x0;
	[tilespmem:s11+$0x12230] =	vst.add.f32.msk $0xffff, v8  }
.LBB2_17:
0x205: {  	s0 =	sand.u32 $0x1C00, s18;
	s7 =	sadd.s32 $0x8, s7;
	[tilespmem:s11+$0x12240] =	vst.add.f32.msk $0xffff, v4;
	s9 =	sadd.s32 $0x10, s9  }
0x206: {  	s2 =	sand.u32 $0x380, s9;
	s19 =	sor.u32 s0, s9;
	p0 =	slt.u32 s7, $0x1F8;
	[tilespmem:s11+$0x12250] =	vst.add.f32.msk $0xffff, v3  }
0x207: {  	s19 =	sor.u32 $0x70, s19;
	[tilespmem:s11+$0x12260] =	vst.add.f32.msk $0xffff, v2;
	s11 =	sor.u32 s2, s0  }
0x208: {  	v2 =	vld [tilespmem:s19+$0x2200]  }
0x209: {  	v5 =	vld [tilespmem:s11+$0x2200]  }
0x20a: {  	v6 =	vld [tilespmem:s11+$0x2210]  }
0x20b: {  	v7 =	vld [tilespmem:s11+$0x2220]  }
0x20c: {  	v8 =	vld [tilespmem:s11+$0x2230]  }
0x20d: {  	[tilespmem:s19+$0x12200] =	vst.add.f32.msk $0xffff, v2  }
0x20e: {  	v4 =	vld [tilespmem:s11+$0x2240]  }
0x20f: {  	v3 =	vld [tilespmem:s11+$0x2250]  }
.Ltmp7:
0x210: {  	v2 =	vld [tilespmem:s11+$0x2260];
	(pc) =	sbr.rel @p0 .LBB2_17-.Ltmp7, $4  }
0x211: {  	[tilespmem:s11+$0x12200] =	vst.add.f32.msk $0xffff, v5  }
0x212: {  	[tilespmem:s11+$0x12210] =	vst.add.f32.msk $0xffff, v6  }
0x213: {  	[tilespmem:s11+$0x12220] =	vst.add.f32.msk $0xffff, v7  }
0x214: {  	s18 =	sadd.s32 $0x400, s18;
	[tilespmem:s11+$0x12230] =	vst.add.f32.msk $0xffff, v8  }
0x215: {  	s28 =	sadd.s32 $0x1, s28  }
0x216: {  	p0 =	sne.s32 s28, $0x8  }
.Ltmp8:
0x217: {  	_ = 	snop;
	(pc) =	sbr.rel @p0 .LBB2_2-.Ltmp8, $4  }
0x218: {  	[tilespmem:s11+$0x12240] =	vst.add.f32.msk $0xffff, v4;
	s0 =	sadd.s32 s17, s8  }
0x219: {  	[tilespmem:s11+$0x12250] =	vst.add.f32.msk $0xffff, v3;
	s0 =	sshll.u32 s0, $0x7  }
0x21a: {  	[tilespmem:s11+$0x12260] =	vst.add.f32.msk $0xffff, v2;
	s0 =	sadd.s32 s3, s0  }
0x21b: {  	[hbm4b:s0+s4] =	stream.linear.scatter [tilespmem:s31], [sflag:$0x3], $0x2000, $0x38;
	[tilespmem:$0x14200] =	vst v63  }
0x21c: {  	_ =	swait.ge [sflag:s22], $0x2000  }
0x21d: {  	[sflag:s22] =	ssyncset.done $0x0  }
0x21e: {  	[sflag:s22] =	ssyncadd.s32 $0xFFFFE000  }
0x21f: {  	_ =	swait.ge [sflag:s22], $0x2000  }
0x220: {  	[sflag:s22] =	ssyncset.done $0x0  }
0x221: {  	[sflag:s22] =	ssyncadd.s32 $0xFFFFE000  }
0x222: {  	_ =	swait.ge [sflag:s22], $0x2000  }
0x223: {  	[sflag:s22] =	ssyncset.done $0x0  }
0x224: {  	[sflag:s22] =	ssyncadd.s32 $0xFFFFE000  }
0x225: {  	_ =	swait.ge [sflag:s22], $0x2000  }
0x226: {  	s2 =	rddreg [dreg:$0xb]  }
0x227: {  	s0 =	rddreg [dreg:$0xa];
	s2 =	sadd.s32 $0x1, s2  }
0x228: {  	p0 =	sne.s32 s2, s0  }
.Ltmp9:
0x229: {  	_ = 	snop;
	(pc) =	sbr.rel @p0 .LBB2_1-.Ltmp9, $3  }
0x22a: {  	_ =	sdelay $0x1  }
0x22b: {  	[sflag:s22] =	ssyncset.done $0x0  }
0x22c: {  	[sflag:s22] =	ssyncadd.s32 $0xFFFFE000  }
0x22d: {  	_ =	sfence.sel $0x180000  }
0x22e: {  	[bflag:$0x0] =	sbarrier.arrive $0xFFFF  }
0x22f: {  	_ =	strace $0x90000047  }
0x230: {  	s0 =	stileid.u32;
	[bflag:$0x2] =	sbarrier.arrive $0xFFFF  }
0x231: {  	p0 =	sne.s32 s0, $0x0;
	s0 =	rddreg [dreg:$0x4]  }
0x232: {  	s0 =	sadd.s32 @!p0 $0x100000, s0  }
0x233: {  	[sflag:s0] =	ssyncadd.tile.s32 @!p0 $0x1;
	_ =	shalt  }
.Lfunc_end2:
_tile_overlayer_lowered:
.L_overlay_start_2:
0x234: {  	(tag) =	ssettag $0x2  }
0x235: {  	s0 =	rddreg [dreg:$0x0];
	s2 =	stileid.u32  }
0x236: {  	s1 =	rddreg [dreg:$0x1];
	p0 =	sne.s32 s2, $0x0  }
0x237: {  	s3 =	rddreg [dreg:$0x2];
	[bflag:$0x3] =	sbarrier.arrive $0xFFFF;
	s2 =	simm.s32 @!p0 $0x1C04  }
0x238: {  	[timem:s3], [sflag:s2] =	dma.local @!p0 [hbm:s0], s1  }
0x239: {  	s0 =	simm.s32 @!p0 $0x4  }
0x23a: {  	_ =	swait.ge @!p0 [sflag:s0], s1  }
0x23b: {  	s1 =	ssub.s32 @!p0 $0x0, s1;
	[sflag:s0] =	ssyncset.done @!p0 $0x0  }
0x23c: {  	[sflag:s0] =	ssyncadd.s32 @!p0 s1  }
0x23d: {  	[bflag:$0x3] =	sbarrier.arrive $0xFFFF  }
0x23e: {  	_ =	shalt  }

</sc_bundles>
